<compile_context>
chip_gen: v7x
topology: tpu7x:2x2x1
jax: 0.10.2.dev20260603
libtpu: 0.0.44.dev20260713+nightly
codegen_flags: <defaults>
</compile_context>

<pallas_src>
import functools

import jax
import jax.numpy as jnp
from jax import lax
from jax.experimental import pallas as pl
from jax.experimental.pallas import tpu as pltpu
from jax.experimental.pallas import tpu_sc as plsc

_INFO = plsc.get_sparse_core_info()
_NC, _NS, _L = _INFO.num_cores, _INFO.num_subcores, _INFO.num_lanes
_NW = _NC * _NS
_CHUNK = 4096


def _make_gather_t(V, D, B):
    dims_per_w = D // _NW
    n_chunks = B // _CHUNK
    mesh = plsc.VectorSubcoreMesh(core_axis_name="c", subcore_axis_name="s")

    @functools.partial(
        pl.kernel,
        mesh=mesh,
        out_type=jax.ShapeDtypeStruct((D, B), jnp.float32),
        scratch_types=[
            pltpu.VMEM((V,), jnp.float32),
            pltpu.VMEM((B,), jnp.int32),
            pltpu.VMEM((2, _CHUNK), jnp.float32),
            pltpu.VMEM_SHARED((B,), jnp.int32),
            pltpu.SemaphoreType.DMA,
            pltpu.SemaphoreType.DMA,
            pltpu.SemaphoreType.DMA,
        ],
        compiler_params=pltpu.CompilerParams(
            use_tc_tiling_on_sc=True, needs_layout_passes=False
        ),
    )
    def gather_kernel(idx_hbm, table_t_hbm, out_t_hbm, row_v, idx_v, out_v,
                      idx_s, so0, so1, sr):
        wid = lax.axis_index("s") * _NC + lax.axis_index("c")
        so = (so0, so1)
        pend = {}
        row_h = pltpu.async_copy(
            table_t_hbm.at[wid * dims_per_w], row_v, sr
        )

        @pl.when(lax.axis_index("s") == 0)
        def _():
            pltpu.sync_copy(idx_hbm, idx_s)

        plsc.subcore_barrier()
        pltpu.sync_copy(idx_s, idx_v)
        for k in range(dims_per_w):
            d = wid * dims_per_w + k
            if k == 0:
                row_h.wait()
            else:
                pltpu.sync_copy(table_t_hbm.at[d], row_v)
            for c in range(n_chunks):
                cc = k * n_chunks + c
                slot = cc % 2
                if cc - 2 in pend:
                    pend.pop(cc - 2).wait()

                @plsc.parallel_loop(0, _CHUNK // _L, unroll=8)
                def _(j):
                    iv = idx_v[pl.ds(c * _CHUNK + j * _L, _L)]
                    out_v[slot, pl.ds(j * _L, _L)] = plsc.load_gather(row_v, [iv])

                pend[cc] = pltpu.async_copy(
                    out_v.at[slot],
                    out_t_hbm.at[d, pl.ds(c * _CHUNK, _CHUNK)],
                    so[slot],
                )
        for h in pend.values():
            h.wait()

    return gather_kernel


def kernel(time_indices, embeddings):
    B = time_indices.shape[0]
    V, D = embeddings.shape
    idx = time_indices.astype(jnp.int32)
    out_t = _make_gather_t(V, D, B)(idx, embeddings.T)
    return out_t.T

# --- scband reference (transcript-rebuilt; emitter-appended) ---
"""Pipeline reference for scband-time-embedding-85289460564056 (READ-ONLY COPY).

The authoritative reference and input builder live on the scoring server;
editing this copy changes nothing except your own understanding.
"""

import jax, jax.numpy as jnp
import numpy as np

NUM_TIMEPOINTS = 100000
EMBED_DIM = 64
BATCH = 16384

def setup_inputs(seed: int = 0) -> dict:
    key = jax.random.key(seed)
    k1, k2 = jax.random.split(key)
    time_indices = jax.random.randint(k1, (BATCH,), 0, NUM_TIMEPOINTS, dtype=jnp.int64 if jax.config.jax_enable_x64 else jnp.int32)
    embeddings = jax.random.normal(k2, (NUM_TIMEPOINTS, EMBED_DIM), dtype=jnp.float32) * 0.01
    return {"time_indices": time_indices, "embeddings": embeddings}

def reference(time_indices, embeddings):
    # Faithful translation: self.embeddings[time_indices]
    return jnp.take(embeddings, time_indices, axis=0)

if __name__ == "__main__":
    import jax
    _d = setup_inputs()
    print(jax.jit(kernel)(*tuple(_d.values())))

</pallas_src>

<mosaic_0001>
#map = affine_map<(d0, d1) -> (0)>
#map1 = affine_map<(d0, d1) -> (0, 0)>
module attributes {stable_mosaic.version = 14 : i64} {
  func.func @gather_kernel(%arg0: i32, %arg1: i32, %arg2: memref<16384xi32, #tpu.memory_space<hbm>>, %arg3: memref<64x100000xf32, #tpu.memory_space<hbm>>, %arg4: memref<64x16384xf32, #tpu.memory_space<hbm>>, %arg5: memref<100000xf32, #tpu.memory_space<vmem>>, %arg6: memref<16384xi32, #tpu.memory_space<vmem>>, %arg7: memref<2x4096xf32, #tpu.memory_space<vmem>>, %arg8: memref<16384xi32, #tpu.memory_space<vmem_shared>>, %arg9: memref<!tpu.dma_semaphore, #tpu.memory_space<semaphore_mem>>, %arg10: memref<!tpu.dma_semaphore, #tpu.memory_space<semaphore_mem>>, %arg11: memref<!tpu.dma_semaphore, #tpu.memory_space<semaphore_mem>>) attributes {dimension_semantics = [#tpu.dimension_semantics<core_parallel>, #tpu.dimension_semantics<subcore_parallel>], iteration_bounds = array<i64: 2, 16>, scalar_prefetch = 0 : i64, scratch_operands = 7 : i64, tpu.core_type = #tpu.core_type<sc_vector_subcore>, window_params = [{transform_indices = #map}, {transform_indices = #map1}, {transform_indices = #map1}]} {
    %mul3A = arith.constant 2 : i32
    %mul3A_0 = arith.muli %arg1, %mul3A : i32
    %add3A = arith.addi %mul3A_0, %arg0 : i32
    %mul3A_1 = arith.constant 2 : i32
    %mul3A_2 = arith.muli %add3A, %mul3A_1 : i32
    %dma_start3A = arith.constant 0 : i32
    %dma_start3A_3 = tpu.memref_slice %arg3[%mul3A_2, %dma_start3A] : memref<64x100000xf32, #tpu.memory_space<hbm>> -> memref<1x100000xf32, #tpu.memory_space<hbm>>
    %dma_start3A_4 = tpu.memref_squeeze %dma_start3A_3 : memref<1x100000xf32, #tpu.memory_space<hbm>> -> memref<100000xf32, #tpu.memory_space<hbm>>
    %dma_start3A_5 = arith.constant 0 : i32
    %dma_start3A_6 = tpu.memref_slice %arg3[%mul3A_2, %dma_start3A_5] : memref<64x100000xf32, #tpu.memory_space<hbm>> -> memref<1x100000xf32, #tpu.memory_space<hbm>>
    %dma_start3A_7 = tpu.memref_squeeze %dma_start3A_6 : memref<1x100000xf32, #tpu.memory_space<hbm>> -> memref<100000xf32, #tpu.memory_space<hbm>>
    tpu.enqueue_dma source(%dma_start3A_7 : memref<100000xf32, #tpu.memory_space<hbm>>) target(%arg5 : memref<100000xf32, #tpu.memory_space<vmem>>) target_semaphore(%arg11 : memref<!tpu.dma_semaphore, #tpu.memory_space<semaphore_mem>>)
    %eq3A = arith.constant 0 : i32
    %eq3A_8 = arith.cmpi eq, %arg1, %eq3A : i32
    %convert_element_type3A = arith.extui %eq3A_8 : i1 to i32
    %cond3A = arith.constant 0 : i32
    %cond3A_9 = arith.cmpi ne, %convert_element_type3A, %cond3A : i32
    scf.if %cond3A_9 {
      "tpu.region"() ({
        %run_scoped3A = tpu.sem_alloc : memref<!tpu.dma_semaphore, #tpu.memory_space<semaphore_mem>>
        tpu.enqueue_dma source(%arg2 : memref<16384xi32, #tpu.memory_space<hbm>>) target(%arg8 : memref<16384xi32, #tpu.memory_space<vmem_shared>>) target_semaphore(%run_scoped3A : memref<!tpu.dma_semaphore, #tpu.memory_space<semaphore_mem>>)
        tpu.wait_dma2 semaphore(%run_scoped3A : memref<!tpu.dma_semaphore, #tpu.memory_space<semaphore_mem>>) src(%arg2 : memref<16384xi32, #tpu.memory_space<hbm>>) dst(%arg8 : memref<16384xi32, #tpu.memory_space<vmem_shared>>)
        tpu.yield
      }) : () -> ()
    } else {
    }
    %barrier3A = arith.constant 0 : index
    tpu.barrier barrier_id(%barrier3A)
    "tpu.region"() ({
      %run_scoped3A = tpu.sem_alloc : memref<!tpu.dma_semaphore, #tpu.memory_space<semaphore_mem>>
      tpu.enqueue_dma source(%arg8 : memref<16384xi32, #tpu.memory_space<vmem_shared>>) target(%arg6 : memref<16384xi32, #tpu.memory_space<vmem>>) target_semaphore(%run_scoped3A : memref<!tpu.dma_semaphore, #tpu.memory_space<semaphore_mem>>)
      tpu.wait_dma2 semaphore(%run_scoped3A : memref<!tpu.dma_semaphore, #tpu.memory_space<semaphore_mem>>) src(%arg8 : memref<16384xi32, #tpu.memory_space<vmem_shared>>) dst(%arg6 : memref<16384xi32, #tpu.memory_space<vmem>>)
      tpu.yield
    }) : () -> ()
    %mul3A_10 = arith.constant 2 : i32
    %mul3A_11 = arith.muli %add3A, %mul3A_10 : i32
    %add3A_12 = arith.constant 0 : i32
    %add3A_13 = arith.addi %mul3A_11, %add3A_12 : i32
    %dma_wait3A = arith.constant 0 : i32
    %dma_wait3A_14 = tpu.memref_slice %arg3[%mul3A_2, %dma_wait3A] : memref<64x100000xf32, #tpu.memory_space<hbm>> -> memref<1x100000xf32, #tpu.memory_space<hbm>>
    %dma_wait3A_15 = tpu.memref_squeeze %dma_wait3A_14 : memref<1x100000xf32, #tpu.memory_space<hbm>> -> memref<100000xf32, #tpu.memory_space<hbm>>
    %dma_wait3A_16 = arith.constant 0 : i32
    %dma_wait3A_17 = tpu.memref_slice %arg3[%mul3A_2, %dma_wait3A_16] : memref<64x100000xf32, #tpu.memory_space<hbm>> -> memref<1x100000xf32, #tpu.memory_space<hbm>>
    %dma_wait3A_18 = tpu.memref_squeeze %dma_wait3A_17 : memref<1x100000xf32, #tpu.memory_space<hbm>> -> memref<100000xf32, #tpu.memory_space<hbm>>
    tpu.wait_dma2 semaphore(%arg11 : memref<!tpu.dma_semaphore, #tpu.memory_space<semaphore_mem>>) src(%dma_wait3A_18 : memref<100000xf32, #tpu.memory_space<hbm>>) dst(%arg5 : memref<100000xf32, #tpu.memory_space<vmem>>)
    %parallel_loop3A = arith.constant 0 : i32
    %parallel_loop3A_19 = arith.constant 256 : i32
    %parallel_loop3A_20 = arith.constant 1 : i32
    scf.for %parallel_loop3A_254 = %parallel_loop3A to %parallel_loop3A_19 step %parallel_loop3A_20  : i32 {
      %parallel_loop3A_255 = arith.constant 16 : i32
      %parallel_loop3A_256 = arith.muli %parallel_loop3A_254, %parallel_loop3A_255 : i32
      %parallel_loop3A_257 = arith.constant 0 : i32
      %parallel_loop3A_258 = arith.addi %parallel_loop3A_257, %parallel_loop3A_256 : i32
      %parallel_loop3A_259 = arith.index_cast %parallel_loop3A_258 : i32 to index
      %parallel_loop3A_260 = tpu.vector_load %arg6[%parallel_loop3A_259] {strides = array<i32>} : memref<16384xi32, #tpu.memory_space<vmem>>, vector<16xi32>,
      %parallel_loop3A_261 = tpu.vector_load_idx %arg5[%parallel_loop3A_260] : memref<100000xf32, #tpu.memory_space<vmem>>[vector<16xi32>], vector<16xf32>,
      %parallel_loop3A_262 = arith.constant 16 : i32
      %parallel_loop3A_263 = arith.muli %parallel_loop3A_254, %parallel_loop3A_262 : i32
      %parallel_loop3A_264 = arith.constant 0 : i32
      %parallel_loop3A_265 = arith.index_cast %parallel_loop3A_264 : i32 to index
      %parallel_loop3A_266 = arith.index_cast %parallel_loop3A_263 : i32 to index
      %parallel_loop3A_267 = tpu.vector_load %arg7[%parallel_loop3A_265, %parallel_loop3A_266] {strides = array<i32>} : memref<2x4096xf32, #tpu.memory_space<vmem>>, vector<16xf32>,
      tpu.vector_store %arg7[%parallel_loop3A_265, %parallel_loop3A_266], %parallel_loop3A_261 {strides = array<i32>} : memref<2x4096xf32, #tpu.memory_space<vmem>>, vector<16xf32>,
    } {sc.loop_unroll_factor = 8 : i64, sc.parallel_access}
    %dma_start3A_21 = arith.constant 0 : i32
    %dma_start3A_22 = arith.constant 0 : i32
    %dma_start3A_23 = tpu.memref_slice %arg7[%dma_start3A_21, %dma_start3A_22] : memref<2x4096xf32, #tpu.memory_space<vmem>> -> memref<1x4096xf32, #tpu.memory_space<vmem>>
    %dma_start3A_24 = tpu.memref_squeeze %dma_start3A_23 : memref<1x4096xf32, #tpu.memory_space<vmem>> -> memref<4096xf32, #tpu.memory_space<vmem>>
    %dma_start3A_25 = arith.constant 0 : i32
    %dma_start3A_26 = tpu.memref_slice %arg4[%add3A_13, %dma_start3A_25] : memref<64x16384xf32, #tpu.memory_space<hbm>> -> memref<1x4096xf32, #tpu.memory_space<hbm>>
    %dma_start3A_27 = tpu.memref_squeeze %dma_start3A_26 : memref<1x4096xf32, #tpu.memory_space<hbm>> -> memref<4096xf32, #tpu.memory_space<hbm>>
    %dma_start3A_28 = arith.constant 0 : i32
    %dma_start3A_29 = tpu.memref_slice %arg4[%add3A_13, %dma_start3A_28] : memref<64x16384xf32, #tpu.memory_space<hbm>> -> memref<1x4096xf32, #tpu.memory_space<hbm>>
    %dma_start3A_30 = tpu.memref_squeeze %dma_start3A_29 : memref<1x4096xf32, #tpu.memory_space<hbm>> -> memref<4096xf32, #tpu.memory_space<hbm>>
    %dma_start3A_31 = arith.constant 0 : i32
    %dma_start3A_32 = tpu.memref_slice %arg7[%dma_start3A_21, %dma_start3A_31] : memref<2x4096xf32, #tpu.memory_space<vmem>> -> memref<1x4096xf32, #tpu.memory_space<vmem>>
    %dma_start3A_33 = tpu.memref_squeeze %dma_start3A_32 : memref<1x4096xf32, #tpu.memory_space<vmem>> -> memref<4096xf32, #tpu.memory_space<vmem>>
    tpu.enqueue_dma source(%dma_start3A_33 : memref<4096xf32, #tpu.memory_space<vmem>>) target(%dma_start3A_30 : memref<4096xf32, #tpu.memory_space<hbm>>) target_semaphore(%arg9 : memref<!tpu.dma_semaphore, #tpu.memory_space<semaphore_mem>>)
    %parallel_loop3A_34 = arith.constant 0 : i32
    %parallel_loop3A_35 = arith.constant 256 : i32
    %parallel_loop3A_36 = arith.constant 1 : i32
    scf.for %parallel_loop3A_254 = %parallel_loop3A_34 to %parallel_loop3A_35 step %parallel_loop3A_36  : i32 {
      %parallel_loop3A_255 = arith.constant 16 : i32
      %parallel_loop3A_256 = arith.muli %parallel_loop3A_254, %parallel_loop3A_255 : i32
      %parallel_loop3A_257 = arith.constant 4096 : i32
      %parallel_loop3A_258 = arith.addi %parallel_loop3A_257, %parallel_loop3A_256 : i32
      %parallel_loop3A_259 = arith.index_cast %parallel_loop3A_258 : i32 to index
      %parallel_loop3A_260 = tpu.vector_load %arg6[%parallel_loop3A_259] {strides = array<i32>} : memref<16384xi32, #tpu.memory_space<vmem>>, vector<16xi32>,
      %parallel_loop3A_261 = tpu.vector_load_idx %arg5[%parallel_loop3A_260] : memref<100000xf32, #tpu.memory_space<vmem>>[vector<16xi32>], vector<16xf32>,
      %parallel_loop3A_262 = arith.constant 16 : i32
      %parallel_loop3A_263 = arith.muli %parallel_loop3A_254, %parallel_loop3A_262 : i32
      %parallel_loop3A_264 = arith.constant 1 : i32
      %parallel_loop3A_265 = arith.index_cast %parallel_loop3A_264 : i32 to index
      %parallel_loop3A_266 = arith.index_cast %parallel_loop3A_263 : i32 to index
      %parallel_loop3A_267 = tpu.vector_load %arg7[%parallel_loop3A_265, %parallel_loop3A_266] {strides = array<i32>} : memref<2x4096xf32, #tpu.memory_space<vmem>>, vector<16xf32>,
      tpu.vector_store %arg7[%parallel_loop3A_265, %parallel_loop3A_266], %parallel_loop3A_261 {strides = array<i32>} : memref<2x4096xf32, #tpu.memory_space<vmem>>, vector<16xf32>,
    } {sc.loop_unroll_factor = 8 : i64, sc.parallel_access}
    %dma_start3A_37 = arith.constant 1 : i32
    %dma_start3A_38 = arith.constant 0 : i32
    %dma_start3A_39 = tpu.memref_slice %arg7[%dma_start3A_37, %dma_start3A_38] : memref<2x4096xf32, #tpu.memory_space<vmem>> -> memref<1x4096xf32, #tpu.memory_space<vmem>>
    %dma_start3A_40 = tpu.memref_squeeze %dma_start3A_39 : memref<1x4096xf32, #tpu.memory_space<vmem>> -> memref<4096xf32, #tpu.memory_space<vmem>>
    %dma_start3A_41 = arith.constant 4096 : i32
    %dma_start3A_42 = tpu.memref_slice %arg4[%add3A_13, %dma_start3A_41] : memref<64x16384xf32, #tpu.memory_space<hbm>> -> memref<1x4096xf32, #tpu.memory_space<hbm>>
    %dma_start3A_43 = tpu.memref_squeeze %dma_start3A_42 : memref<1x4096xf32, #tpu.memory_space<hbm>> -> memref<4096xf32, #tpu.memory_space<hbm>>
    %dma_start3A_44 = arith.constant 4096 : i32
    %dma_start3A_45 = tpu.memref_slice %arg4[%add3A_13, %dma_start3A_44] : memref<64x16384xf32, #tpu.memory_space<hbm>> -> memref<1x4096xf32, #tpu.memory_space<hbm>>
    %dma_start3A_46 = tpu.memref_squeeze %dma_start3A_45 : memref<1x4096xf32, #tpu.memory_space<hbm>> -> memref<4096xf32, #tpu.memory_space<hbm>>
    %dma_start3A_47 = arith.constant 0 : i32
    %dma_start3A_48 = tpu.memref_slice %arg7[%dma_start3A_37, %dma_start3A_47] : memref<2x4096xf32, #tpu.memory_space<vmem>> -> memref<1x4096xf32, #tpu.memory_space<vmem>>
    %dma_start3A_49 = tpu.memref_squeeze %dma_start3A_48 : memref<1x4096xf32, #tpu.memory_space<vmem>> -> memref<4096xf32, #tpu.memory_space<vmem>>
    tpu.enqueue_dma source(%dma_start3A_49 : memref<4096xf32, #tpu.memory_space<vmem>>) target(%dma_start3A_46 : memref<4096xf32, #tpu.memory_space<hbm>>) target_semaphore(%arg10 : memref<!tpu.dma_semaphore, #tpu.memory_space<semaphore_mem>>)
    %dma_wait3A_50 = arith.constant 0 : i32
    %dma_wait3A_51 = arith.constant 0 : i32
    %dma_wait3A_52 = tpu.memref_slice %arg7[%dma_wait3A_50, %dma_wait3A_51] : memref<2x4096xf32, #tpu.memory_space<vmem>> -> memref<1x4096xf32, #tpu.memory_space<vmem>>
    %dma_wait3A_53 = tpu.memref_squeeze %dma_wait3A_52 : memref<1x4096xf32, #tpu.memory_space<vmem>> -> memref<4096xf32, #tpu.memory_space<vmem>>
    %dma_wait3A_54 = arith.constant 0 : i32
    %dma_wait3A_55 = tpu.memref_slice %arg4[%add3A_13, %dma_wait3A_54] : memref<64x16384xf32, #tpu.memory_space<hbm>> -> memref<1x4096xf32, #tpu.memory_space<hbm>>
    %dma_wait3A_56 = tpu.memref_squeeze %dma_wait3A_55 : memref<1x4096xf32, #tpu.memory_space<hbm>> -> memref<4096xf32, #tpu.memory_space<hbm>>
    %dma_wait3A_57 = arith.constant 0 : i32
    %dma_wait3A_58 = tpu.memref_slice %arg4[%add3A_13, %dma_wait3A_57] : memref<64x16384xf32, #tpu.memory_space<hbm>> -> memref<1x4096xf32, #tpu.memory_space<hbm>>
    %dma_wait3A_59 = tpu.memref_squeeze %dma_wait3A_58 : memref<1x4096xf32, #tpu.memory_space<hbm>> -> memref<4096xf32, #tpu.memory_space<hbm>>
    %dma_wait3A_60 = arith.constant 0 : i32
    %dma_wait3A_61 = tpu.memref_slice %arg7[%dma_wait3A_50, %dma_wait3A_60] : memref<2x4096xf32, #tpu.memory_space<vmem>> -> memref<1x4096xf32, #tpu.memory_space<vmem>>
    %dma_wait3A_62 = tpu.memref_squeeze %dma_wait3A_61 : memref<1x4096xf32, #tpu.memory_space<vmem>> -> memref<4096xf32, #tpu.memory_space<vmem>>
    tpu.wait_dma2 semaphore(%arg9 : memref<!tpu.dma_semaphore, #tpu.memory_space<semaphore_mem>>) src(%dma_wait3A_62 : memref<4096xf32, #tpu.memory_space<vmem>>) dst(%dma_wait3A_59 : memref<4096xf32, #tpu.memory_space<hbm>>)
    %parallel_loop3A_63 = arith.constant 0 : i32
    %parallel_loop3A_64 = arith.constant 256 : i32
    %parallel_loop3A_65 = arith.constant 1 : i32
    scf.for %parallel_loop3A_254 = %parallel_loop3A_63 to %parallel_loop3A_64 step %parallel_loop3A_65  : i32 {
      %parallel_loop3A_255 = arith.constant 16 : i32
      %parallel_loop3A_256 = arith.muli %parallel_loop3A_254, %parallel_loop3A_255 : i32
      %parallel_loop3A_257 = arith.constant 8192 : i32
      %parallel_loop3A_258 = arith.addi %parallel_loop3A_257, %parallel_loop3A_256 : i32
      %parallel_loop3A_259 = arith.index_cast %parallel_loop3A_258 : i32 to index
      %parallel_loop3A_260 = tpu.vector_load %arg6[%parallel_loop3A_259] {strides = array<i32>} : memref<16384xi32, #tpu.memory_space<vmem>>, vector<16xi32>,
      %parallel_loop3A_261 = tpu.vector_load_idx %arg5[%parallel_loop3A_260] : memref<100000xf32, #tpu.memory_space<vmem>>[vector<16xi32>], vector<16xf32>,
      %parallel_loop3A_262 = arith.constant 16 : i32
      %parallel_loop3A_263 = arith.muli %parallel_loop3A_254, %parallel_loop3A_262 : i32
      %parallel_loop3A_264 = arith.constant 0 : i32
      %parallel_loop3A_265 = arith.index_cast %parallel_loop3A_264 : i32 to index
      %parallel_loop3A_266 = arith.index_cast %parallel_loop3A_263 : i32 to index
      %parallel_loop3A_267 = tpu.vector_load %arg7[%parallel_loop3A_265, %parallel_loop3A_266] {strides = array<i32>} : memref<2x4096xf32, #tpu.memory_space<vmem>>, vector<16xf32>,
      tpu.vector_store %arg7[%parallel_loop3A_265, %parallel_loop3A_266], %parallel_loop3A_261 {strides = array<i32>} : memref<2x4096xf32, #tpu.memory_space<vmem>>, vector<16xf32>,
    } {sc.loop_unroll_factor = 8 : i64, sc.parallel_access}
    %dma_start3A_66 = arith.constant 0 : i32
    %dma_start3A_67 = arith.constant 0 : i32
    %dma_start3A_68 = tpu.memref_slice %arg7[%dma_start3A_66, %dma_start3A_67] : memref<2x4096xf32, #tpu.memory_space<vmem>> -> memref<1x4096xf32, #tpu.memory_space<vmem>>
    %dma_start3A_69 = tpu.memref_squeeze %dma_start3A_68 : memref<1x4096xf32, #tpu.memory_space<vmem>> -> memref<4096xf32, #tpu.memory_space<vmem>>
    %dma_start3A_70 = arith.constant 8192 : i32
    %dma_start3A_71 = tpu.memref_slice %arg4[%add3A_13, %dma_start3A_70] : memref<64x16384xf32, #tpu.memory_space<hbm>> -> memref<1x4096xf32, #tpu.memory_space<hbm>>
    %dma_start3A_72 = tpu.memref_squeeze %dma_start3A_71 : memref<1x4096xf32, #tpu.memory_space<hbm>> -> memref<4096xf32, #tpu.memory_space<hbm>>
    %dma_start3A_73 = arith.constant 8192 : i32
    %dma_start3A_74 = tpu.memref_slice %arg4[%add3A_13, %dma_start3A_73] : memref<64x16384xf32, #tpu.memory_space<hbm>> -> memref<1x4096xf32, #tpu.memory_space<hbm>>
    %dma_start3A_75 = tpu.memref_squeeze %dma_start3A_74 : memref<1x4096xf32, #tpu.memory_space<hbm>> -> memref<4096xf32, #tpu.memory_space<hbm>>
    %dma_start3A_76 = arith.constant 0 : i32
    %dma_start3A_77 = tpu.memref_slice %arg7[%dma_start3A_66, %dma_start3A_76] : memref<2x4096xf32, #tpu.memory_space<vmem>> -> memref<1x4096xf32, #tpu.memory_space<vmem>>
    %dma_start3A_78 = tpu.memref_squeeze %dma_start3A_77 : memref<1x4096xf32, #tpu.memory_space<vmem>> -> memref<4096xf32, #tpu.memory_space<vmem>>
    tpu.enqueue_dma source(%dma_start3A_78 : memref<4096xf32, #tpu.memory_space<vmem>>) target(%dma_start3A_75 : memref<4096xf32, #tpu.memory_space<hbm>>) target_semaphore(%arg9 : memref<!tpu.dma_semaphore, #tpu.memory_space<semaphore_mem>>)
    %dma_wait3A_79 = arith.constant 1 : i32
    %dma_wait3A_80 = arith.constant 0 : i32
    %dma_wait3A_81 = tpu.memref_slice %arg7[%dma_wait3A_79, %dma_wait3A_80] : memref<2x4096xf32, #tpu.memory_space<vmem>> -> memref<1x4096xf32, #tpu.memory_space<vmem>>
    %dma_wait3A_82 = tpu.memref_squeeze %dma_wait3A_81 : memref<1x4096xf32, #tpu.memory_space<vmem>> -> memref<4096xf32, #tpu.memory_space<vmem>>
    %dma_wait3A_83 = arith.constant 4096 : i32
    %dma_wait3A_84 = tpu.memref_slice %arg4[%add3A_13, %dma_wait3A_83] : memref<64x16384xf32, #tpu.memory_space<hbm>> -> memref<1x4096xf32, #tpu.memory_space<hbm>>
    %dma_wait3A_85 = tpu.memref_squeeze %dma_wait3A_84 : memref<1x4096xf32, #tpu.memory_space<hbm>> -> memref<4096xf32, #tpu.memory_space<hbm>>
    %dma_wait3A_86 = arith.constant 4096 : i32
    %dma_wait3A_87 = tpu.memref_slice %arg4[%add3A_13, %dma_wait3A_86] : memref<64x16384xf32, #tpu.memory_space<hbm>> -> memref<1x4096xf32, #tpu.memory_space<hbm>>
    %dma_wait3A_88 = tpu.memref_squeeze %dma_wait3A_87 : memref<1x4096xf32, #tpu.memory_space<hbm>> -> memref<4096xf32, #tpu.memory_space<hbm>>
    %dma_wait3A_89 = arith.constant 0 : i32
    %dma_wait3A_90 = tpu.memref_slice %arg7[%dma_wait3A_79, %dma_wait3A_89] : memref<2x4096xf32, #tpu.memory_space<vmem>> -> memref<1x4096xf32, #tpu.memory_space<vmem>>
    %dma_wait3A_91 = tpu.memref_squeeze %dma_wait3A_90 : memref<1x4096xf32, #tpu.memory_space<vmem>> -> memref<4096xf32, #tpu.memory_space<vmem>>
    tpu.wait_dma2 semaphore(%arg10 : memref<!tpu.dma_semaphore, #tpu.memory_space<semaphore_mem>>) src(%dma_wait3A_91 : memref<4096xf32, #tpu.memory_space<vmem>>) dst(%dma_wait3A_88 : memref<4096xf32, #tpu.memory_space<hbm>>)
    %parallel_loop3A_92 = arith.constant 0 : i32
    %parallel_loop3A_93 = arith.constant 256 : i32
    %parallel_loop3A_94 = arith.constant 1 : i32
    scf.for %parallel_loop3A_254 = %parallel_loop3A_92 to %parallel_loop3A_93 step %parallel_loop3A_94  : i32 {
      %parallel_loop3A_255 = arith.constant 16 : i32
      %parallel_loop3A_256 = arith.muli %parallel_loop3A_254, %parallel_loop3A_255 : i32
      %parallel_loop3A_257 = arith.constant 12288 : i32
      %parallel_loop3A_258 = arith.addi %parallel_loop3A_257, %parallel_loop3A_256 : i32
      %parallel_loop3A_259 = arith.index_cast %parallel_loop3A_258 : i32 to index
      %parallel_loop3A_260 = tpu.vector_load %arg6[%parallel_loop3A_259] {strides = array<i32>} : memref<16384xi32, #tpu.memory_space<vmem>>, vector<16xi32>,
      %parallel_loop3A_261 = tpu.vector_load_idx %arg5[%parallel_loop3A_260] : memref<100000xf32, #tpu.memory_space<vmem>>[vector<16xi32>], vector<16xf32>,
      %parallel_loop3A_262 = arith.constant 16 : i32
      %parallel_loop3A_263 = arith.muli %parallel_loop3A_254, %parallel_loop3A_262 : i32
      %parallel_loop3A_264 = arith.constant 1 : i32
      %parallel_loop3A_265 = arith.index_cast %parallel_loop3A_264 : i32 to index
      %parallel_loop3A_266 = arith.index_cast %parallel_loop3A_263 : i32 to index
      %parallel_loop3A_267 = tpu.vector_load %arg7[%parallel_loop3A_265, %parallel_loop3A_266] {strides = array<i32>} : memref<2x4096xf32, #tpu.memory_space<vmem>>, vector<16xf32>,
      tpu.vector_store %arg7[%parallel_loop3A_265, %parallel_loop3A_266], %parallel_loop3A_261 {strides = array<i32>} : memref<2x4096xf32, #tpu.memory_space<vmem>>, vector<16xf32>,
    } {sc.loop_unroll_factor = 8 : i64, sc.parallel_access}
    %dma_start3A_95 = arith.constant 1 : i32
    %dma_start3A_96 = arith.constant 0 : i32
    %dma_start3A_97 = tpu.memref_slice %arg7[%dma_start3A_95, %dma_start3A_96] : memref<2x4096xf32, #tpu.memory_space<vmem>> -> memref<1x4096xf32, #tpu.memory_space<vmem>>
    %dma_start3A_98 = tpu.memref_squeeze %dma_start3A_97 : memref<1x4096xf32, #tpu.memory_space<vmem>> -> memref<4096xf32, #tpu.memory_space<vmem>>
    %dma_start3A_99 = arith.constant 12288 : i32
    %dma_start3A_100 = tpu.memref_slice %arg4[%add3A_13, %dma_start3A_99] : memref<64x16384xf32, #tpu.memory_space<hbm>> -> memref<1x4096xf32, #tpu.memory_space<hbm>>
    %dma_start3A_101 = tpu.memref_squeeze %dma_start3A_100 : memref<1x4096xf32, #tpu.memory_space<hbm>> -> memref<4096xf32, #tpu.memory_space<hbm>>
    %dma_start3A_102 = arith.constant 12288 : i32
    %dma_start3A_103 = tpu.memref_slice %arg4[%add3A_13, %dma_start3A_102] : memref<64x16384xf32, #tpu.memory_space<hbm>> -> memref<1x4096xf32, #tpu.memory_space<hbm>>
    %dma_start3A_104 = tpu.memref_squeeze %dma_start3A_103 : memref<1x4096xf32, #tpu.memory_space<hbm>> -> memref<4096xf32, #tpu.memory_space<hbm>>
    %dma_start3A_105 = arith.constant 0 : i32
    %dma_start3A_106 = tpu.memref_slice %arg7[%dma_start3A_95, %dma_start3A_105] : memref<2x4096xf32, #tpu.memory_space<vmem>> -> memref<1x4096xf32, #tpu.memory_space<vmem>>
    %dma_start3A_107 = tpu.memref_squeeze %dma_start3A_106 : memref<1x4096xf32, #tpu.memory_space<vmem>> -> memref<4096xf32, #tpu.memory_space<vmem>>
    tpu.enqueue_dma source(%dma_start3A_107 : memref<4096xf32, #tpu.memory_space<vmem>>) target(%dma_start3A_104 : memref<4096xf32, #tpu.memory_space<hbm>>) target_semaphore(%arg10 : memref<!tpu.dma_semaphore, #tpu.memory_space<semaphore_mem>>)
    %mul3A_108 = arith.constant 2 : i32
    %mul3A_109 = arith.muli %add3A, %mul3A_108 : i32
    %add3A_110 = arith.constant 1 : i32
    %add3A_111 = arith.addi %mul3A_109, %add3A_110 : i32
    "tpu.region"() ({
      %run_scoped3A = tpu.sem_alloc : memref<!tpu.dma_semaphore, #tpu.memory_space<semaphore_mem>>
      %dma_start3A_254 = arith.constant 0 : i32
      %dma_start3A_255 = tpu.memref_slice %arg3[%add3A_111, %dma_start3A_254] : memref<64x100000xf32, #tpu.memory_space<hbm>> -> memref<1x100000xf32, #tpu.memory_space<hbm>>
      %dma_start3A_256 = tpu.memref_squeeze %dma_start3A_255 : memref<1x100000xf32, #tpu.memory_space<hbm>> -> memref<100000xf32, #tpu.memory_space<hbm>>
      %dma_start3A_257 = arith.constant 0 : i32
      %dma_start3A_258 = tpu.memref_slice %arg3[%add3A_111, %dma_start3A_257] : memref<64x100000xf32, #tpu.memory_space<hbm>> -> memref<1x100000xf32, #tpu.memory_space<hbm>>
      %dma_start3A_259 = tpu.memref_squeeze %dma_start3A_258 : memref<1x100000xf32, #tpu.memory_space<hbm>> -> memref<100000xf32, #tpu.memory_space<hbm>>
      tpu.enqueue_dma source(%dma_start3A_259 : memref<100000xf32, #tpu.memory_space<hbm>>) target(%arg5 : memref<100000xf32, #tpu.memory_space<vmem>>) target_semaphore(%run_scoped3A : memref<!tpu.dma_semaphore, #tpu.memory_space<semaphore_mem>>)
      %dma_wait3A_260 = arith.constant 0 : i32
      %dma_wait3A_261 = tpu.memref_slice %arg3[%add3A_111, %dma_wait3A_260] : memref<64x100000xf32, #tpu.memory_space<hbm>> -> memref<1x100000xf32, #tpu.memory_space<hbm>>
      %dma_wait3A_262 = tpu.memref_squeeze %dma_wait3A_261 : memref<1x100000xf32, #tpu.memory_space<hbm>> -> memref<100000xf32, #tpu.memory_space<hbm>>
      %dma_wait3A_263 = arith.constant 0 : i32
      %dma_wait3A_264 = tpu.memref_slice %arg3[%add3A_111, %dma_wait3A_263] : memref<64x100000xf32, #tpu.memory_space<hbm>> -> memref<1x100000xf32, #tpu.memory_space<hbm>>
      %dma_wait3A_265 = tpu.memref_squeeze %dma_wait3A_264 : memref<1x100000xf32, #tpu.memory_space<hbm>> -> memref<100000xf32, #tpu.memory_space<hbm>>
      tpu.wait_dma2 semaphore(%run_scoped3A : memref<!tpu.dma_semaphore, #tpu.memory_space<semaphore_mem>>) src(%dma_wait3A_265 : memref<100000xf32, #tpu.memory_space<hbm>>) dst(%arg5 : memref<100000xf32, #tpu.memory_space<vmem>>)
      tpu.yield
    }) : () -> ()
    %dma_wait3A_112 = arith.constant 0 : i32
    %dma_wait3A_113 = arith.constant 0 : i32
    %dma_wait3A_114 = tpu.memref_slice %arg7[%dma_wait3A_112, %dma_wait3A_113] : memref<2x4096xf32, #tpu.memory_space<vmem>> -> memref<1x4096xf32, #tpu.memory_space<vmem>>
    %dma_wait3A_115 = tpu.memref_squeeze %dma_wait3A_114 : memref<1x4096xf32, #tpu.memory_space<vmem>> -> memref<4096xf32, #tpu.memory_space<vmem>>
    %dma_wait3A_116 = arith.constant 8192 : i32
    %dma_wait3A_117 = tpu.memref_slice %arg4[%add3A_13, %dma_wait3A_116] : memref<64x16384xf32, #tpu.memory_space<hbm>> -> memref<1x4096xf32, #tpu.memory_space<hbm>>
    %dma_wait3A_118 = tpu.memref_squeeze %dma_wait3A_117 : memref<1x4096xf32, #tpu.memory_space<hbm>> -> memref<4096xf32, #tpu.memory_space<hbm>>
    %dma_wait3A_119 = arith.constant 8192 : i32
    %dma_wait3A_120 = tpu.memref_slice %arg4[%add3A_13, %dma_wait3A_119] : memref<64x16384xf32, #tpu.memory_space<hbm>> -> memref<1x4096xf32, #tpu.memory_space<hbm>>
    %dma_wait3A_121 = tpu.memref_squeeze %dma_wait3A_120 : memref<1x4096xf32, #tpu.memory_space<hbm>> -> memref<4096xf32, #tpu.memory_space<hbm>>
    %dma_wait3A_122 = arith.constant 0 : i32
    %dma_wait3A_123 = tpu.memref_slice %arg7[%dma_wait3A_112, %dma_wait3A_122] : memref<2x4096xf32, #tpu.memory_space<vmem>> -> memref<1x4096xf32, #tpu.memory_space<vmem>>
    %dma_wait3A_124 = tpu.memref_squeeze %dma_wait3A_123 : memref<1x4096xf32, #tpu.memory_space<vmem>> -> memref<4096xf32, #tpu.memory_space<vmem>>
    tpu.wait_dma2 semaphore(%arg9 : memref<!tpu.dma_semaphore, #tpu.memory_space<semaphore_mem>>) src(%dma_wait3A_124 : memref<4096xf32, #tpu.memory_space<vmem>>) dst(%dma_wait3A_121 : memref<4096xf32, #tpu.memory_space<hbm>>)
    %parallel_loop3A_125 = arith.constant 0 : i32
    %parallel_loop3A_126 = arith.constant 256 : i32
    %parallel_loop3A_127 = arith.constant 1 : i32
    scf.for %parallel_loop3A_254 = %parallel_loop3A_125 to %parallel_loop3A_126 step %parallel_loop3A_127  : i32 {
      %parallel_loop3A_255 = arith.constant 16 : i32
      %parallel_loop3A_256 = arith.muli %parallel_loop3A_254, %parallel_loop3A_255 : i32
      %parallel_loop3A_257 = arith.constant 0 : i32
      %parallel_loop3A_258 = arith.addi %parallel_loop3A_257, %parallel_loop3A_256 : i32
      %parallel_loop3A_259 = arith.index_cast %parallel_loop3A_258 : i32 to index
      %parallel_loop3A_260 = tpu.vector_load %arg6[%parallel_loop3A_259] {strides = array<i32>} : memref<16384xi32, #tpu.memory_space<vmem>>, vector<16xi32>,
      %parallel_loop3A_261 = tpu.vector_load_idx %arg5[%parallel_loop3A_260] : memref<100000xf32, #tpu.memory_space<vmem>>[vector<16xi32>], vector<16xf32>,
      %parallel_loop3A_262 = arith.constant 16 : i32
      %parallel_loop3A_263 = arith.muli %parallel_loop3A_254, %parallel_loop3A_262 : i32
      %parallel_loop3A_264 = arith.constant 0 : i32
      %parallel_loop3A_265 = arith.index_cast %parallel_loop3A_264 : i32 to index
      %parallel_loop3A_266 = arith.index_cast %parallel_loop3A_263 : i32 to index
      %parallel_loop3A_267 = tpu.vector_load %arg7[%parallel_loop3A_265, %parallel_loop3A_266] {strides = array<i32>} : memref<2x4096xf32, #tpu.memory_space<vmem>>, vector<16xf32>,
      tpu.vector_store %arg7[%parallel_loop3A_265, %parallel_loop3A_266], %parallel_loop3A_261 {strides = array<i32>} : memref<2x4096xf32, #tpu.memory_space<vmem>>, vector<16xf32>,
    } {sc.loop_unroll_factor = 8 : i64, sc.parallel_access}
    %dma_start3A_128 = arith.constant 0 : i32
    %dma_start3A_129 = arith.constant 0 : i32
    %dma_start3A_130 = tpu.memref_slice %arg7[%dma_start3A_128, %dma_start3A_129] : memref<2x4096xf32, #tpu.memory_space<vmem>> -> memref<1x4096xf32, #tpu.memory_space<vmem>>
    %dma_start3A_131 = tpu.memref_squeeze %dma_start3A_130 : memref<1x4096xf32, #tpu.memory_space<vmem>> -> memref<4096xf32, #tpu.memory_space<vmem>>
    %dma_start3A_132 = arith.constant 0 : i32
    %dma_start3A_133 = tpu.memref_slice %arg4[%add3A_111, %dma_start3A_132] : memref<64x16384xf32, #tpu.memory_space<hbm>> -> memref<1x4096xf32, #tpu.memory_space<hbm>>
    %dma_start3A_134 = tpu.memref_squeeze %dma_start3A_133 : memref<1x4096xf32, #tpu.memory_space<hbm>> -> memref<4096xf32, #tpu.memory_space<hbm>>
    %dma_start3A_135 = arith.constant 0 : i32
    %dma_start3A_136 = tpu.memref_slice %arg4[%add3A_111, %dma_start3A_135] : memref<64x16384xf32, #tpu.memory_space<hbm>> -> memref<1x4096xf32, #tpu.memory_space<hbm>>
    %dma_start3A_137 = tpu.memref_squeeze %dma_start3A_136 : memref<1x4096xf32, #tpu.memory_space<hbm>> -> memref<4096xf32, #tpu.memory_space<hbm>>
    %dma_start3A_138 = arith.constant 0 : i32
    %dma_start3A_139 = tpu.memref_slice %arg7[%dma_start3A_128, %dma_start3A_138] : memref<2x4096xf32, #tpu.memory_space<vmem>> -> memref<1x4096xf32, #tpu.memory_space<vmem>>
    %dma_start3A_140 = tpu.memref_squeeze %dma_start3A_139 : memref<1x4096xf32, #tpu.memory_space<vmem>> -> memref<4096xf32, #tpu.memory_space<vmem>>
    tpu.enqueue_dma source(%dma_start3A_140 : memref<4096xf32, #tpu.memory_space<vmem>>) target(%dma_start3A_137 : memref<4096xf32, #tpu.memory_space<hbm>>) target_semaphore(%arg9 : memref<!tpu.dma_semaphore, #tpu.memory_space<semaphore_mem>>)
    %dma_wait3A_141 = arith.constant 1 : i32
    %dma_wait3A_142 = arith.constant 0 : i32
    %dma_wait3A_143 = tpu.memref_slice %arg7[%dma_wait3A_141, %dma_wait3A_142] : memref<2x4096xf32, #tpu.memory_space<vmem>> -> memref<1x4096xf32, #tpu.memory_space<vmem>>
    %dma_wait3A_144 = tpu.memref_squeeze %dma_wait3A_143 : memref<1x4096xf32, #tpu.memory_space<vmem>> -> memref<4096xf32, #tpu.memory_space<vmem>>
    %dma_wait3A_145 = arith.constant 12288 : i32
    %dma_wait3A_146 = tpu.memref_slice %arg4[%add3A_13, %dma_wait3A_145] : memref<64x16384xf32, #tpu.memory_space<hbm>> -> memref<1x4096xf32, #tpu.memory_space<hbm>>
    %dma_wait3A_147 = tpu.memref_squeeze %dma_wait3A_146 : memref<1x4096xf32, #tpu.memory_space<hbm>> -> memref<4096xf32, #tpu.memory_space<hbm>>
    %dma_wait3A_148 = arith.constant 12288 : i32
    %dma_wait3A_149 = tpu.memref_slice %arg4[%add3A_13, %dma_wait3A_148] : memref<64x16384xf32, #tpu.memory_space<hbm>> -> memref<1x4096xf32, #tpu.memory_space<hbm>>
    %dma_wait3A_150 = tpu.memref_squeeze %dma_wait3A_149 : memref<1x4096xf32, #tpu.memory_space<hbm>> -> memref<4096xf32, #tpu.memory_space<hbm>>
    %dma_wait3A_151 = arith.constant 0 : i32
    %dma_wait3A_152 = tpu.memref_slice %arg7[%dma_wait3A_141, %dma_wait3A_151] : memref<2x4096xf32, #tpu.memory_space<vmem>> -> memref<1x4096xf32, #tpu.memory_space<vmem>>
    %dma_wait3A_153 = tpu.memref_squeeze %dma_wait3A_152 : memref<1x4096xf32, #tpu.memory_space<vmem>> -> memref<4096xf32, #tpu.memory_space<vmem>>
    tpu.wait_dma2 semaphore(%arg10 : memref<!tpu.dma_semaphore, #tpu.memory_space<semaphore_mem>>) src(%dma_wait3A_153 : memref<4096xf32, #tpu.memory_space<vmem>>) dst(%dma_wait3A_150 : memref<4096xf32, #tpu.memory_space<hbm>>)
    %parallel_loop3A_154 = arith.constant 0 : i32
    %parallel_loop3A_155 = arith.constant 256 : i32
    %parallel_loop3A_156 = arith.constant 1 : i32
    scf.for %parallel_loop3A_254 = %parallel_loop3A_154 to %parallel_loop3A_155 step %parallel_loop3A_156  : i32 {
      %parallel_loop3A_255 = arith.constant 16 : i32
      %parallel_loop3A_256 = arith.muli %parallel_loop3A_254, %parallel_loop3A_255 : i32
      %parallel_loop3A_257 = arith.constant 4096 : i32
      %parallel_loop3A_258 = arith.addi %parallel_loop3A_257, %parallel_loop3A_256 : i32
      %parallel_loop3A_259 = arith.index_cast %parallel_loop3A_258 : i32 to index
      %parallel_loop3A_260 = tpu.vector_load %arg6[%parallel_loop3A_259] {strides = array<i32>} : memref<16384xi32, #tpu.memory_space<vmem>>, vector<16xi32>,
      %parallel_loop3A_261 = tpu.vector_load_idx %arg5[%parallel_loop3A_260] : memref<100000xf32, #tpu.memory_space<vmem>>[vector<16xi32>], vector<16xf32>,
      %parallel_loop3A_262 = arith.constant 16 : i32
      %parallel_loop3A_263 = arith.muli %parallel_loop3A_254, %parallel_loop3A_262 : i32
      %parallel_loop3A_264 = arith.constant 1 : i32
      %parallel_loop3A_265 = arith.index_cast %parallel_loop3A_264 : i32 to index
      %parallel_loop3A_266 = arith.index_cast %parallel_loop3A_263 : i32 to index
      %parallel_loop3A_267 = tpu.vector_load %arg7[%parallel_loop3A_265, %parallel_loop3A_266] {strides = array<i32>} : memref<2x4096xf32, #tpu.memory_space<vmem>>, vector<16xf32>,
      tpu.vector_store %arg7[%parallel_loop3A_265, %parallel_loop3A_266], %parallel_loop3A_261 {strides = array<i32>} : memref<2x4096xf32, #tpu.memory_space<vmem>>, vector<16xf32>,
    } {sc.loop_unroll_factor = 8 : i64, sc.parallel_access}
    %dma_start3A_157 = arith.constant 1 : i32
    %dma_start3A_158 = arith.constant 0 : i32
    %dma_start3A_159 = tpu.memref_slice %arg7[%dma_start3A_157, %dma_start3A_158] : memref<2x4096xf32, #tpu.memory_space<vmem>> -> memref<1x4096xf32, #tpu.memory_space<vmem>>
    %dma_start3A_160 = tpu.memref_squeeze %dma_start3A_159 : memref<1x4096xf32, #tpu.memory_space<vmem>> -> memref<4096xf32, #tpu.memory_space<vmem>>
    %dma_start3A_161 = arith.constant 4096 : i32
    %dma_start3A_162 = tpu.memref_slice %arg4[%add3A_111, %dma_start3A_161] : memref<64x16384xf32, #tpu.memory_space<hbm>> -> memref<1x4096xf32, #tpu.memory_space<hbm>>
    %dma_start3A_163 = tpu.memref_squeeze %dma_start3A_162 : memref<1x4096xf32, #tpu.memory_space<hbm>> -> memref<4096xf32, #tpu.memory_space<hbm>>
    %dma_start3A_164 = arith.constant 4096 : i32
    %dma_start3A_165 = tpu.memref_slice %arg4[%add3A_111, %dma_start3A_164] : memref<64x16384xf32, #tpu.memory_space<hbm>> -> memref<1x4096xf32, #tpu.memory_space<hbm>>
    %dma_start3A_166 = tpu.memref_squeeze %dma_start3A_165 : memref<1x4096xf32, #tpu.memory_space<hbm>> -> memref<4096xf32, #tpu.memory_space<hbm>>
    %dma_start3A_167 = arith.constant 0 : i32
    %dma_start3A_168 = tpu.memref_slice %arg7[%dma_start3A_157, %dma_start3A_167] : memref<2x4096xf32, #tpu.memory_space<vmem>> -> memref<1x4096xf32, #tpu.memory_space<vmem>>
    %dma_start3A_169 = tpu.memref_squeeze %dma_start3A_168 : memref<1x4096xf32, #tpu.memory_space<vmem>> -> memref<4096xf32, #tpu.memory_space<vmem>>
    tpu.enqueue_dma source(%dma_start3A_169 : memref<4096xf32, #tpu.memory_space<vmem>>) target(%dma_start3A_166 : memref<4096xf32, #tpu.memory_space<hbm>>) target_semaphore(%arg10 : memref<!tpu.dma_semaphore, #tpu.memory_space<semaphore_mem>>)
    %dma_wait3A_170 = arith.constant 0 : i32
    %dma_wait3A_171 = arith.constant 0 : i32
    %dma_wait3A_172 = tpu.memref_slice %arg7[%dma_wait3A_170, %dma_wait3A_171] : memref<2x4096xf32, #tpu.memory_space<vmem>> -> memref<1x4096xf32, #tpu.memory_space<vmem>>
    %dma_wait3A_173 = tpu.memref_squeeze %dma_wait3A_172 : memref<1x4096xf32, #tpu.memory_space<vmem>> -> memref<4096xf32, #tpu.memory_space<vmem>>
    %dma_wait3A_174 = arith.constant 0 : i32
    %dma_wait3A_175 = tpu.memref_slice %arg4[%add3A_111, %dma_wait3A_174] : memref<64x16384xf32, #tpu.memory_space<hbm>> -> memref<1x4096xf32, #tpu.memory_space<hbm>>
    %dma_wait3A_176 = tpu.memref_squeeze %dma_wait3A_175 : memref<1x4096xf32, #tpu.memory_space<hbm>> -> memref<4096xf32, #tpu.memory_space<hbm>>
    %dma_wait3A_177 = arith.constant 0 : i32
    %dma_wait3A_178 = tpu.memref_slice %arg4[%add3A_111, %dma_wait3A_177] : memref<64x16384xf32, #tpu.memory_space<hbm>> -> memref<1x4096xf32, #tpu.memory_space<hbm>>
    %dma_wait3A_179 = tpu.memref_squeeze %dma_wait3A_178 : memref<1x4096xf32, #tpu.memory_space<hbm>> -> memref<4096xf32, #tpu.memory_space<hbm>>
    %dma_wait3A_180 = arith.constant 0 : i32
    %dma_wait3A_181 = tpu.memref_slice %arg7[%dma_wait3A_170, %dma_wait3A_180] : memref<2x4096xf32, #tpu.memory_space<vmem>> -> memref<1x4096xf32, #tpu.memory_space<vmem>>
    %dma_wait3A_182 = tpu.memref_squeeze %dma_wait3A_181 : memref<1x4096xf32, #tpu.memory_space<vmem>> -> memref<4096xf32, #tpu.memory_space<vmem>>
    tpu.wait_dma2 semaphore(%arg9 : memref<!tpu.dma_semaphore, #tpu.memory_space<semaphore_mem>>) src(%dma_wait3A_182 : memref<4096xf32, #tpu.memory_space<vmem>>) dst(%dma_wait3A_179 : memref<4096xf32, #tpu.memory_space<hbm>>)
    %parallel_loop3A_183 = arith.constant 0 : i32
    %parallel_loop3A_184 = arith.constant 256 : i32
    %parallel_loop3A_185 = arith.constant 1 : i32
    scf.for %parallel_loop3A_254 = %parallel_loop3A_183 to %parallel_loop3A_184 step %parallel_loop3A_185  : i32 {
      %parallel_loop3A_255 = arith.constant 16 : i32
      %parallel_loop3A_256 = arith.muli %parallel_loop3A_254, %parallel_loop3A_255 : i32
      %parallel_loop3A_257 = arith.constant 8192 : i32
      %parallel_loop3A_258 = arith.addi %parallel_loop3A_257, %parallel_loop3A_256 : i32
      %parallel_loop3A_259 = arith.index_cast %parallel_loop3A_258 : i32 to index
      %parallel_loop3A_260 = tpu.vector_load %arg6[%parallel_loop3A_259] {strides = array<i32>} : memref<16384xi32, #tpu.memory_space<vmem>>, vector<16xi32>,
      %parallel_loop3A_261 = tpu.vector_load_idx %arg5[%parallel_loop3A_260] : memref<100000xf32, #tpu.memory_space<vmem>>[vector<16xi32>], vector<16xf32>,
      %parallel_loop3A_262 = arith.constant 16 : i32
      %parallel_loop3A_263 = arith.muli %parallel_loop3A_254, %parallel_loop3A_262 : i32
      %parallel_loop3A_264 = arith.constant 0 : i32
      %parallel_loop3A_265 = arith.index_cast %parallel_loop3A_264 : i32 to index
      %parallel_loop3A_266 = arith.index_cast %parallel_loop3A_263 : i32 to index
      %parallel_loop3A_267 = tpu.vector_load %arg7[%parallel_loop3A_265, %parallel_loop3A_266] {strides = array<i32>} : memref<2x4096xf32, #tpu.memory_space<vmem>>, vector<16xf32>,
      tpu.vector_store %arg7[%parallel_loop3A_265, %parallel_loop3A_266], %parallel_loop3A_261 {strides = array<i32>} : memref<2x4096xf32, #tpu.memory_space<vmem>>, vector<16xf32>,
    } {sc.loop_unroll_factor = 8 : i64, sc.parallel_access}
    %dma_start3A_186 = arith.constant 0 : i32
    %dma_start3A_187 = arith.constant 0 : i32
    %dma_start3A_188 = tpu.memref_slice %arg7[%dma_start3A_186, %dma_start3A_187] : memref<2x4096xf32, #tpu.memory_space<vmem>> -> memref<1x4096xf32, #tpu.memory_space<vmem>>
    %dma_start3A_189 = tpu.memref_squeeze %dma_start3A_188 : memref<1x4096xf32, #tpu.memory_space<vmem>> -> memref<4096xf32, #tpu.memory_space<vmem>>
    %dma_start3A_190 = arith.constant 8192 : i32
    %dma_start3A_191 = tpu.memref_slice %arg4[%add3A_111, %dma_start3A_190] : memref<64x16384xf32, #tpu.memory_space<hbm>> -> memref<1x4096xf32, #tpu.memory_space<hbm>>
    %dma_start3A_192 = tpu.memref_squeeze %dma_start3A_191 : memref<1x4096xf32, #tpu.memory_space<hbm>> -> memref<4096xf32, #tpu.memory_space<hbm>>
    %dma_start3A_193 = arith.constant 8192 : i32
    %dma_start3A_194 = tpu.memref_slice %arg4[%add3A_111, %dma_start3A_193] : memref<64x16384xf32, #tpu.memory_space<hbm>> -> memref<1x4096xf32, #tpu.memory_space<hbm>>
    %dma_start3A_195 = tpu.memref_squeeze %dma_start3A_194 : memref<1x4096xf32, #tpu.memory_space<hbm>> -> memref<4096xf32, #tpu.memory_space<hbm>>
    %dma_start3A_196 = arith.constant 0 : i32
    %dma_start3A_197 = tpu.memref_slice %arg7[%dma_start3A_186, %dma_start3A_196] : memref<2x4096xf32, #tpu.memory_space<vmem>> -> memref<1x4096xf32, #tpu.memory_space<vmem>>
    %dma_start3A_198 = tpu.memref_squeeze %dma_start3A_197 : memref<1x4096xf32, #tpu.memory_space<vmem>> -> memref<4096xf32, #tpu.memory_space<vmem>>
    tpu.enqueue_dma source(%dma_start3A_198 : memref<4096xf32, #tpu.memory_space<vmem>>) target(%dma_start3A_195 : memref<4096xf32, #tpu.memory_space<hbm>>) target_semaphore(%arg9 : memref<!tpu.dma_semaphore, #tpu.memory_space<semaphore_mem>>)
    %dma_wait3A_199 = arith.constant 1 : i32
    %dma_wait3A_200 = arith.constant 0 : i32
    %dma_wait3A_201 = tpu.memref_slice %arg7[%dma_wait3A_199, %dma_wait3A_200] : memref<2x4096xf32, #tpu.memory_space<vmem>> -> memref<1x4096xf32, #tpu.memory_space<vmem>>
    %dma_wait3A_202 = tpu.memref_squeeze %dma_wait3A_201 : memref<1x4096xf32, #tpu.memory_space<vmem>> -> memref<4096xf32, #tpu.memory_space<vmem>>
    %dma_wait3A_203 = arith.constant 4096 : i32
    %dma_wait3A_204 = tpu.memref_slice %arg4[%add3A_111, %dma_wait3A_203] : memref<64x16384xf32, #tpu.memory_space<hbm>> -> memref<1x4096xf32, #tpu.memory_space<hbm>>
    %dma_wait3A_205 = tpu.memref_squeeze %dma_wait3A_204 : memref<1x4096xf32, #tpu.memory_space<hbm>> -> memref<4096xf32, #tpu.memory_space<hbm>>
    %dma_wait3A_206 = arith.constant 4096 : i32
    %dma_wait3A_207 = tpu.memref_slice %arg4[%add3A_111, %dma_wait3A_206] : memref<64x16384xf32, #tpu.memory_space<hbm>> -> memref<1x4096xf32, #tpu.memory_space<hbm>>
    %dma_wait3A_208 = tpu.memref_squeeze %dma_wait3A_207 : memref<1x4096xf32, #tpu.memory_space<hbm>> -> memref<4096xf32, #tpu.memory_space<hbm>>
    %dma_wait3A_209 = arith.constant 0 : i32
    %dma_wait3A_210 = tpu.memref_slice %arg7[%dma_wait3A_199, %dma_wait3A_209] : memref<2x4096xf32, #tpu.memory_space<vmem>> -> memref<1x4096xf32, #tpu.memory_space<vmem>>
    %dma_wait3A_211 = tpu.memref_squeeze %dma_wait3A_210 : memref<1x4096xf32, #tpu.memory_space<vmem>> -> memref<4096xf32, #tpu.memory_space<vmem>>
    tpu.wait_dma2 semaphore(%arg10 : memref<!tpu.dma_semaphore, #tpu.memory_space<semaphore_mem>>) src(%dma_wait3A_211 : memref<4096xf32, #tpu.memory_space<vmem>>) dst(%dma_wait3A_208 : memref<4096xf32, #tpu.memory_space<hbm>>)
    %parallel_loop3A_212 = arith.constant 0 : i32
    %parallel_loop3A_213 = arith.constant 256 : i32
    %parallel_loop3A_214 = arith.constant 1 : i32
    scf.for %parallel_loop3A_254 = %parallel_loop3A_212 to %parallel_loop3A_213 step %parallel_loop3A_214  : i32 {
      %parallel_loop3A_255 = arith.constant 16 : i32
      %parallel_loop3A_256 = arith.muli %parallel_loop3A_254, %parallel_loop3A_255 : i32
      %parallel_loop3A_257 = arith.constant 12288 : i32
      %parallel_loop3A_258 = arith.addi %parallel_loop3A_257, %parallel_loop3A_256 : i32
      %parallel_loop3A_259 = arith.index_cast %parallel_loop3A_258 : i32 to index
      %parallel_loop3A_260 = tpu.vector_load %arg6[%parallel_loop3A_259] {strides = array<i32>} : memref<16384xi32, #tpu.memory_space<vmem>>, vector<16xi32>,
      %parallel_loop3A_261 = tpu.vector_load_idx %arg5[%parallel_loop3A_260] : memref<100000xf32, #tpu.memory_space<vmem>>[vector<16xi32>], vector<16xf32>,
      %parallel_loop3A_262 = arith.constant 16 : i32
      %parallel_loop3A_263 = arith.muli %parallel_loop3A_254, %parallel_loop3A_262 : i32
      %parallel_loop3A_264 = arith.constant 1 : i32
      %parallel_loop3A_265 = arith.index_cast %parallel_loop3A_264 : i32 to index
      %parallel_loop3A_266 = arith.index_cast %parallel_loop3A_263 : i32 to index
      %parallel_loop3A_267 = tpu.vector_load %arg7[%parallel_loop3A_265, %parallel_loop3A_266] {strides = array<i32>} : memref<2x4096xf32, #tpu.memory_space<vmem>>, vector<16xf32>,
      tpu.vector_store %arg7[%parallel_loop3A_265, %parallel_loop3A_266], %parallel_loop3A_261 {strides = array<i32>} : memref<2x4096xf32, #tpu.memory_space<vmem>>, vector<16xf32>,
    } {sc.loop_unroll_factor = 8 : i64, sc.parallel_access}
    %dma_start3A_215 = arith.constant 1 : i32
    %dma_start3A_216 = arith.constant 0 : i32
    %dma_start3A_217 = tpu.memref_slice %arg7[%dma_start3A_215, %dma_start3A_216] : memref<2x4096xf32, #tpu.memory_space<vmem>> -> memref<1x4096xf32, #tpu.memory_space<vmem>>
    %dma_start3A_218 = tpu.memref_squeeze %dma_start3A_217 : memref<1x4096xf32, #tpu.memory_space<vmem>> -> memref<4096xf32, #tpu.memory_space<vmem>>
    %dma_start3A_219 = arith.constant 12288 : i32
    %dma_start3A_220 = tpu.memref_slice %arg4[%add3A_111, %dma_start3A_219] : memref<64x16384xf32, #tpu.memory_space<hbm>> -> memref<1x4096xf32, #tpu.memory_space<hbm>>
    %dma_start3A_221 = tpu.memref_squeeze %dma_start3A_220 : memref<1x4096xf32, #tpu.memory_space<hbm>> -> memref<4096xf32, #tpu.memory_space<hbm>>
    %dma_start3A_222 = arith.constant 12288 : i32
    %dma_start3A_223 = tpu.memref_slice %arg4[%add3A_111, %dma_start3A_222] : memref<64x16384xf32, #tpu.memory_space<hbm>> -> memref<1x4096xf32, #tpu.memory_space<hbm>>
    %dma_start3A_224 = tpu.memref_squeeze %dma_start3A_223 : memref<1x4096xf32, #tpu.memory_space<hbm>> -> memref<4096xf32, #tpu.memory_space<hbm>>
    %dma_start3A_225 = arith.constant 0 : i32
    %dma_start3A_226 = tpu.memref_slice %arg7[%dma_start3A_215, %dma_start3A_225] : memref<2x4096xf32, #tpu.memory_space<vmem>> -> memref<1x4096xf32, #tpu.memory_space<vmem>>
    %dma_start3A_227 = tpu.memref_squeeze %dma_start3A_226 : memref<1x4096xf32, #tpu.memory_space<vmem>> -> memref<4096xf32, #tpu.memory_space<vmem>>
    tpu.enqueue_dma source(%dma_start3A_227 : memref<4096xf32, #tpu.memory_space<vmem>>) target(%dma_start3A_224 : memref<4096xf32, #tpu.memory_space<hbm>>) target_semaphore(%arg10 : memref<!tpu.dma_semaphore, #tpu.memory_space<semaphore_mem>>)
    %dma_wait3A_228 = arith.constant 0 : i32
    %dma_wait3A_229 = arith.constant 0 : i32
    %dma_wait3A_230 = tpu.memref_slice %arg7[%dma_wait3A_228, %dma_wait3A_229] : memref<2x4096xf32, #tpu.memory_space<vmem>> -> memref<1x4096xf32, #tpu.memory_space<vmem>>
    %dma_wait3A_231 = tpu.memref_squeeze %dma_wait3A_230 : memref<1x4096xf32, #tpu.memory_space<vmem>> -> memref<4096xf32, #tpu.memory_space<vmem>>
    %dma_wait3A_232 = arith.constant 8192 : i32
    %dma_wait3A_233 = tpu.memref_slice %arg4[%add3A_111, %dma_wait3A_232] : memref<64x16384xf32, #tpu.memory_space<hbm>> -> memref<1x4096xf32, #tpu.memory_space<hbm>>
    %dma_wait3A_234 = tpu.memref_squeeze %dma_wait3A_233 : memref<1x4096xf32, #tpu.memory_space<hbm>> -> memref<4096xf32, #tpu.memory_space<hbm>>
    %dma_wait3A_235 = arith.constant 8192 : i32
    %dma_wait3A_236 = tpu.memref_slice %arg4[%add3A_111, %dma_wait3A_235] : memref<64x16384xf32, #tpu.memory_space<hbm>> -> memref<1x4096xf32, #tpu.memory_space<hbm>>
    %dma_wait3A_237 = tpu.memref_squeeze %dma_wait3A_236 : memref<1x4096xf32, #tpu.memory_space<hbm>> -> memref<4096xf32, #tpu.memory_space<hbm>>
    %dma_wait3A_238 = arith.constant 0 : i32
    %dma_wait3A_239 = tpu.memref_slice %arg7[%dma_wait3A_228, %dma_wait3A_238] : memref<2x4096xf32, #tpu.memory_space<vmem>> -> memref<1x4096xf32, #tpu.memory_space<vmem>>
    %dma_wait3A_240 = tpu.memref_squeeze %dma_wait3A_239 : memref<1x4096xf32, #tpu.memory_space<vmem>> -> memref<4096xf32, #tpu.memory_space<vmem>>
    tpu.wait_dma2 semaphore(%arg9 : memref<!tpu.dma_semaphore, #tpu.memory_space<semaphore_mem>>) src(%dma_wait3A_240 : memref<4096xf32, #tpu.memory_space<vmem>>) dst(%dma_wait3A_237 : memref<4096xf32, #tpu.memory_space<hbm>>)
    %dma_wait3A_241 = arith.constant 1 : i32
    %dma_wait3A_242 = arith.constant 0 : i32
    %dma_wait3A_243 = tpu.memref_slice %arg7[%dma_wait3A_241, %dma_wait3A_242] : memref<2x4096xf32, #tpu.memory_space<vmem>> -> memref<1x4096xf32, #tpu.memory_space<vmem>>
    %dma_wait3A_244 = tpu.memref_squeeze %dma_wait3A_243 : memref<1x4096xf32, #tpu.memory_space<vmem>> -> memref<4096xf32, #tpu.memory_space<vmem>>
    %dma_wait3A_245 = arith.constant 12288 : i32
    %dma_wait3A_246 = tpu.memref_slice %arg4[%add3A_111, %dma_wait3A_245] : memref<64x16384xf32, #tpu.memory_space<hbm>> -> memref<1x4096xf32, #tpu.memory_space<hbm>>
    %dma_wait3A_247 = tpu.memref_squeeze %dma_wait3A_246 : memref<1x4096xf32, #tpu.memory_space<hbm>> -> memref<4096xf32, #tpu.memory_space<hbm>>
    %dma_wait3A_248 = arith.constant 12288 : i32
    %dma_wait3A_249 = tpu.memref_slice %arg4[%add3A_111, %dma_wait3A_248] : memref<64x16384xf32, #tpu.memory_space<hbm>> -> memref<1x4096xf32, #tpu.memory_space<hbm>>
    %dma_wait3A_250 = tpu.memref_squeeze %dma_wait3A_249 : memref<1x4096xf32, #tpu.memory_space<hbm>> -> memref<4096xf32, #tpu.memory_space<hbm>>
    %dma_wait3A_251 = arith.constant 0 : i32
    %dma_wait3A_252 = tpu.memref_slice %arg7[%dma_wait3A_241, %dma_wait3A_251] : memref<2x4096xf32, #tpu.memory_space<vmem>> -> memref<1x4096xf32, #tpu.memory_space<vmem>>
    %dma_wait3A_253 = tpu.memref_squeeze %dma_wait3A_252 : memref<1x4096xf32, #tpu.memory_space<vmem>> -> memref<4096xf32, #tpu.memory_space<vmem>>
    tpu.wait_dma2 semaphore(%arg10 : memref<!tpu.dma_semaphore, #tpu.memory_space<semaphore_mem>>) src(%dma_wait3A_253 : memref<4096xf32, #tpu.memory_space<vmem>>) dst(%dma_wait3A_250 : memref<4096xf32, #tpu.memory_space<hbm>>)
    return
  }
}

</mosaic_0001>

<sc_bundles>
// kernel: kernel.3.cloned.1.call-start
scs
__scs_entry_jumppad:
0x0: {  	(pc) =	sbr.rel $0x88, $3  }
0x1: {  	(tag) =	ssettag $0x0;
	lr =	simm.s32 $0x1  }
0x2: {  	[smem:$0x3F9F] =	sst lr;
	_ =	strace $0xD0000000  }
0x3: {  	_ = 	snop  }
0x4: {  	_ = 	snop  }
0x5: {  	_ = 	snop  }
0x6: {  	_ = 	snop  }
0x7: {  	_ = 	snop  }
__scs_overlays_trampoline_lowered:
0x8: {  	[smem:$0x3FAE] =	sst s0  }
0x9: {  	[smem:$0x3FAF] =	sst s1  }
0xa: {  	[smem:$0x3FB0] =	sst s2  }
0xb: {  	[smem:$0x3FB1] =	sst s3  }
0xc: {  	[smem:$0x3FB2] =	sst s4  }
0xd: {  	[smem:$0x3FB3] =	sst s5  }
0xe: {  	[smem:$0x3FB4] =	sst s6  }
0xf: {  	[smem:$0x3FB5] =	sst s7  }
0x10: {  	[smem:$0x3FB6] =	sst s8  }
0x11: {  	[smem:$0x3FB7] =	sst s9;
	s0 =	simm.s32 @!p0 $0x0  }
0x12: {  	s1 =	sld [smem:$0x3F9D];
	s0 =	simm.s32 @p0 $0x1  }
0x13: {  	[smem:$0x3FB8] =	sst s0;
	s0 =	simm.s32 @!p1 $0x0  }
0x14: {  	s2 =	sld [smem:$0x3F9C];
	s0 =	simm.s32 @p1 $0x1  }
0x15: {  	[smem:$0x3FB9] =	sst s0;
	s0 =	simm.s32 @!p2 $0x0  }
0x16: {  	s3 =	sld [smem:$0x3FDB];
	s0 =	simm.s32 @p2 $0x1  }
0x17: {  	s4 =	simm.s32 $0x1BF5;
	[smem:$0x3FBB] =	sst s0  }
0x18: {  	s0 =	sld [smem:$0x3F9E];
	_ =	swait.ge [sflag:s4], $0x0  }
0x19: {  	s7 =	sld [smem:$0x3F9F]  }
0x1a: {  	s8 =	sadd.s32 $0xFFFFE003, lr  }
0x1b: {  	s9 =	sadd.s32 $0xFFFFFEF7, lr;
	s5 =	simm.s32 $0xFFFFFFFF;
	p2 =	slt.u32 s8, $0xFFFFF086  }
0x1c: {  	p1 =	slt.u32 s9, $0xF7A;
	s5 =	simm.s32 @!p2 $0x0  }
0x1d: {  	s5 =	simm.s32 @p1 $0x1;
	p0 =	seq.s32 s7, s2  }
0x1e: {  	s7 =	smul.u32 @!p0 $0xF7A, s2;
	p2 =	seq.s32 @!p0 s5, $0x0  }
0x1f: {  	s9 =	smul.u32 $0xF7A, s1;
	s8 =	simm.s32 @!p0 $0x1BF5;
	p2 =	por !p2, p0  }
0x20: {  	[sflag:s8] =	ssyncset.s32 @!p0 $0xFFFFF086;
	s6 =	sadd.s32 @!p0 s3, s7;
	s7 =	simm.s32 @!p0 $0x108  }
0x21: {  	s3 =	sadd.s32 s3, s9;
	s6 =	sadd.s32 @!p0 $0x88, s6;
	s7 =	simm.s32 @p2 $0x1082  }
0x22: {  	[simem:s7], [sflag:s8] =	dma.local @!p0 [hbm:s6], $0xF7A  }
0x23: {  	s9 =	sor.u32 $0xD0000000, s2;
	s6 =	simm.s32 $0x108;
	_ =	swait.ge @!p0 [sflag:s8], $0x0  }
0x24: {  	s3 =	sadd.s32 $0x88, s3;
	s6 =	simm.s32 @!p1 $0x1082;
	[sflag:s4] =	ssyncset.s32 $0xFFFFF086  }
0x25: {  	[simem:s6], [sflag:s4] =	dma.local [hbm:s3], $0xF7A  }
0x26: {  	[smem:$0x3F9F] =	sst s1;
	(tag) =	ssettag s2;
	_ =	strace s9  }
0x27: {  	s1 =	sld [smem:$0x3FAF]  }
0x28: {  	s2 =	sld [smem:$0x3FB0]  }
0x29: {  	s4 =	sld [smem:$0x3FB2]  }
0x2a: {  	p0 =	seq.s32 s5, $0x0;
	s5 =	sld [smem:$0x3FB3]  }
0x2b: {  	s6 =	sld [smem:$0x3FB4]  }
0x2c: {  	s7 =	sld [smem:$0x3FB5]  }
0x2d: {  	s3 =	simm.s32 $0x108;
	s8 =	sld [smem:$0x3FB6]  }
0x2e: {  	s3 =	simm.s32 @!p0 $0x1082;
	s9 =	sld [smem:$0x3FB7]  }
0x2f: {  	lr =	sadd.s32 s0, s3;
	s0 =	sld [smem:$0x3FAE]  }
0x30: {  	s3 =	sld [smem:$0x3FB1]  }
0x31: {  	[smem:$0x3FBA] =	sst s10  }
0x32: {  	s10 =	sld [smem:$0x3FB8];
	_ =	sdelay $0x3  }
0x33: {  	p0 =	seq.s32 s10, $0x1;
	s10 =	sld [smem:$0x3FBA];
	_ =	sdelay $0x3  }
0x34: {  	[smem:$0x3FBA] =	sst s10  }
0x35: {  	s10 =	sld [smem:$0x3FB9];
	_ =	sdelay $0x3  }
0x36: {  	p1 =	seq.s32 s10, $0x1;
	s10 =	sld [smem:$0x3FBA];
	_ =	sdelay $0x3  }
0x37: {  	[smem:$0x3FBA] =	sst s10  }
0x38: {  	s10 =	sld [smem:$0x3FBB]  }
0x39: {  	_ = 	snop;
	(pc) =	sbr.ind lr, $3  }
0x3a: {  	_ = 	snop  }
0x3b: {  	_ = 	snop  }
0x3c: {  	p2 =	seq.s32 s10, $0x1;
	s10 =	sld [smem:$0x3FBA]  }
0x3d: {  	_ =	shalt  }
0x3e: {  	_ =	shalt  }
0x3f: {  	_ =	shalt  }
0x40: {  	_ =	shalt  }
0x41: {  	_ =	shalt  }
0x42: {  	_ =	shalt  }
0x43: {  	_ =	shalt  }
0x44: {  	_ =	shalt  }
0x45: {  	_ =	shalt  }
0x46: {  	_ =	shalt  }
0x47: {  	_ =	shalt  }
0x48: {  	_ =	shalt  }
0x49: {  	_ =	shalt  }
0x4a: {  	_ =	shalt  }
0x4b: {  	_ =	shalt  }
0x4c: {  	_ =	shalt  }
0x4d: {  	_ =	shalt  }
0x4e: {  	_ =	shalt  }
0x4f: {  	_ =	shalt  }
0x50: {  	_ =	shalt  }
0x51: {  	_ =	shalt  }
0x52: {  	_ =	shalt  }
0x53: {  	_ =	shalt  }
0x54: {  	_ =	shalt  }
0x55: {  	_ =	shalt  }
0x56: {  	_ =	shalt  }
0x57: {  	_ =	shalt  }
0x58: {  	_ =	shalt  }
0x59: {  	_ =	shalt  }
0x5a: {  	_ =	shalt  }
0x5b: {  	_ =	shalt  }
0x5c: {  	_ =	shalt  }
0x5d: {  	_ =	shalt  }
0x5e: {  	_ =	shalt  }
0x5f: {  	_ =	shalt  }
0x60: {  	_ =	shalt  }
0x61: {  	_ =	shalt  }
0x62: {  	_ =	shalt  }
0x63: {  	_ =	shalt  }
0x64: {  	_ =	shalt  }
0x65: {  	_ =	shalt  }
0x66: {  	_ =	shalt  }
0x67: {  	_ =	shalt  }
0x68: {  	_ =	shalt  }
0x69: {  	_ =	shalt  }
0x6a: {  	_ =	shalt  }
0x6b: {  	_ =	shalt  }
0x6c: {  	_ =	shalt  }
0x6d: {  	_ =	shalt  }
0x6e: {  	_ =	shalt  }
0x6f: {  	_ =	shalt  }
0x70: {  	_ =	shalt  }
0x71: {  	_ =	shalt  }
0x72: {  	_ =	shalt  }
0x73: {  	_ =	shalt  }
0x74: {  	_ =	shalt  }
0x75: {  	_ =	shalt  }
0x76: {  	_ =	shalt  }
0x77: {  	_ =	shalt  }
0x78: {  	_ =	shalt  }
0x79: {  	_ =	shalt  }
0x7a: {  	_ =	shalt  }
0x7b: {  	_ =	shalt  }
0x7c: {  	_ =	shalt  }
0x7d: {  	_ =	shalt  }
0x7e: {  	_ =	shalt  }
0x7f: {  	_ =	shalt  }
0x80: {  	_ =	shalt  }
0x81: {  	_ =	shalt  }
0x82: {  	_ =	shalt  }
0x83: {  	_ =	shalt  }
0x84: {  	_ =	shalt  }
0x85: {  	_ =	shalt  }
0x86: {  	_ =	shalt  }
0x87: {  	_ =	shalt  }
.Lfunc_end0:
.L_simem_size_0:
called_computation_lowered:
.L_overlay_start_0:
0x88: {  	s2 =	sld [smem:$0x3FD9]  }
0x89: {  	s3 =	sld [smem:$0x3FFE];
	_ =	sdelay $0x1  }
0x8a: {  	s1 =	srdreg.scid  }
0x8b: {  	s0 =	sand.u32 $0x1, s1  }
0x8c: {  	s18 =	sshll.u32 s0, $0xA;
	s2 =	sadd.s32 s3, s2  }
0x8d: {  	s2 =	sadd.s32 s2, s18  }
0x8e: {  	[smem:$0x3FC6] =	sst s2  }
0x8f: {  	_ = 	snop  }
0x90: {  	s2 =	sld [smem:$0x3FC9]  }
0x91: {  	s19 =	sld [smem:$0x3FC8]  }
0x92: {  	s4 =	sld [smem:$0x3FD0];
	(tm) =	ssettm $0x1  }
0x93: {  	s5 =	sld [smem:$0x3FFB];
	_ =	sdelay $0x3  }
0x94: {  	_ =	strace s5  }
0x95: {  	s5 =	sld [smem:$0x3FFC];
	_ =	sdelay $0x3  }
0x96: {  	_ =	strace s5  }
0x97: {  	s5 =	sld [smem:$0x3FFD];
	_ =	sdelay $0x3  }
0x98: {  	_ =	strace s5  }
0x99: {  	_ =	strace $0x8FFFFFFF  }
0x9a: {  	s20 =	sld [smem:$0x3FDB];
	_ =	sdelay $0x1  }
0x9b: {  	s6 =	simm.s32 $_scs_section_size  }
0x9c: {  	s7 =	simm.s32 $_size__tile_overlayer_lowered;
	s8 =	simm.s32 $_tile_overlayer_lowered  }
0x9d: {  	s23 =	simm.s32 $0x1BFF;
	s22 =	sshll.u32 s8, $0x1;
	s5 =	sadd.s32 s6, s20  }
0x9e: {  	s9 =	simm.s32 $0x0;
	s21 =	sshll.u32 s7, $0x1;
	s7 =	sadd.s32 s22, s5  }
0x9f: {  	[timem:s9], [sflag:s23] =	dma.local [hbm:s7], s21  }
0xa0: {  	_ =	swait.ge [sflag:s23], s21  }
0xa1: {  	s6 =	ssub.s32 $0x0, s21;
	[sflag:s23] =	ssyncset.done $0x0  }
0xa2: {  	[sflag:s23] =	ssyncadd.s32 s6;
	_ =	sdelay $0x1  }
0xa3: {  	s24 =	simm.s32 $0x1B8B  }
0xa4: {  	_ =	swait.ge [sflag:s24], $0x1  }
0xa5: {  	[sflag:s24] =	ssyncset.done $0x0  }
0xa6: {  	s25 =	simm.s32 $0x1B8E;
	[sflag:s24] =	ssyncadd.s32 $0xFFFFFFFF  }
0xa7: {  	s26 =	simm.s32 $execute0_lowered;
	[smem:$0x3FD2] =	sst s25  }
0xa8: {  	s6 =	sshll.u32 s26, $0x1;
	_ =	strace $0x80000046;
	[dreg:$0x1] =	wrdreg $0xFFFFFFFF  }
0xa9: {  	s28 =	simm.s32 $_size_execute0_lowered;
	s5 =	sadd.s32 s5, s6;
	[dreg:$0x0] =	wrdreg $0x0  }
0xaa: {  	s6 =	sshll.u32 s28, $0x1;
	[dreg:$0x2] =	wrdreg s5  }
0xab: {  	[dreg:$0x3] =	wrdreg s6  }
0xac: {  	[dreg:$0x4] =	wrdreg $0xC0  }
0xad: {  	_ =	task [dreg:s9], $0x5FFFF  }
0xae: {  	[dreg:$0x1] =	wrdreg $0xFFFFFFFF  }
0xaf: {  	[dreg:$0x0] =	wrdreg $0x60  }
0xb0: {  	[dreg:$0x2] =	wrdreg s2  }
0xb1: {  	[dreg:$0x3] =	wrdreg s19  }
0xb2: {  	[dreg:$0x4] =	wrdreg s4  }
0xb3: {  	[dreg:$0x5] =	wrdreg $0x1E7000  }
0xb4: {  	[dreg:$0x6] =	wrdreg $0x9  }
0xb5: {  	_ =	task.clear_ibuf [dreg:s9], $0x7FFFF;
	_ =	strace $0x90000046  }
0xb6: {  	s29 =	simm.s32 $0x9;
	_ =	strace $0x80000048  }
0xb7: {  	_ =	swait.ge [sflag:s29], $0x1  }
0xb8: {  	[sflag:s29] =	ssyncadd.s32 $0xFFFFFFFF  }
0xb9: {  	_ =	strace $0x90000048  }
0xba: {  	_ =	sfence  }
0xbb: {  	s30 =	sld [smem:$0x0];
	_ =	sdelay $0x2  }
0xbc: {  	s31 =	sshll.u32 s1, $0xD;
	s1 =	sshrl.u32 s1, $0x2  }
0xbd: {  	s3 =	sand.u32 $0x4000, s31;
	s1 =	sadd.s32 s1, s30  }
0xbe: {  	s0 =	sor.u32 s3, s0;
	s1 =	sshll.u32 s1, $0x11  }
0xbf: {  	s0 =	sor.u32 s1, s0  }
0xc0: {  	s0 =	sadd.s32 $0x8F2B, s0  }
0xc1: {  	[sflag:s0] =	ssyncadd.remote.s32 $0x1  }
0xc2: {  	_ =	sfence.sel $0xFFFF  }
0xc3: {  	[dreg:$0x0] =	wrdreg $0xFFFFFFFF;
	(pc) =	sbr.abs _section_cstart, $3  }
0xc4: {  	[dreg:$0x1] =	wrdreg $0xFFFFFFFF  }
0xc5: {  	_ =	task.clear_ibuf [dreg:s9], $0x2FFFF;
	_ =	strace $0x9FFFFFFF  }
0xc6: {  	(tm) =	ssettm $0x7FFFFFFF  }
0xc7: {  	_ =	shalt  }
tec
execute0_lowered:
.L_overlay_start_1:
0x0: {  	(tag) =	ssettag $0x1  }
0x1: {  	s1 =	rddreg [dreg:$0x0]  }
0x2: {  	s9 =	rddreg [dreg:$0x1]  }
0x3: {  	s10 =	rddreg [dreg:$0x2]  }
0x4: {  	s2 =	rddreg [dreg:$0x3]  }
0x5: {  	s0 =	rddreg [dreg:$0x4]  }
0x6: {  	s3 =	simm.s32 $0x0;
	s4 =	srdreg.scid;
	s15 =	stileid.u32  }
0x7: {  	s20 =	simm.s32 $0x1;
	s21 =	simm.s32 $0x2;
	s22 =	simm.s32 $0x0  }
0x8: {  	[smem:$0x7FF] =	sst s3;
	s4 =	sand.u32 $0x1, s4;
	s5 =	sshll.u32 s15, $0x9  }
0x9: {  	s6 =	sshrl.u32 s15, $0x1;
	s16 =	sadd.s32 $0x1000, s10;
	s17 =	sadd.s32 $0x2000, s10  }
0xa: {  	s18 =	sadd.s32 $0x3000, s10;
	p0 =	sne.s32 s15, $0x0;
	s15 =	simm.s32 $0x80  }
0xb: {  	s7 =	sshll.u32 s4, $0x8;
	s5 =	sand.u32 $0x200, s5;
	s8 =	smul.u32 $0xC3800, s6  }
0xc: {  	_ =	strace $0x80000047;
	s4 =	ssub.s32 $0x2, s4;
	s11 =	sor.u32 s7, s5  }
0xd: {  	s12 =	sshll.u32 s6, $0x11;
	s29 =	sshrl.u32 s4, $0x1;
	s5 =	sor.u32 s8, s11  }
0xe: {  	s7 =	sor.u32 s12, s11;
	s14 =	ssub.s32 s4, s29;
	s11 =	sor.u32 $0x80, s11  }
0xf: {  	s5 =	sshrl.u32 s5, $0x3;
	s13 =	sshrl.u32 s7, $0x3;
	s19 =	sor.u32 s8, s11  }
0x10: {  	s11 =	sor.u32 s12, s11;
	s14 =	smax.u32 s14, $0x1;
	s4 =	sadd.s32 s9, s5  }
0x11: {  	s5 =	sadd.s32 s10, s13;
	s6 =	sadd.s32 s13, s16;
	s7 =	sadd.s32 s13, s17  }
0x12: {  	s8 =	sadd.s32 s13, s18;
	s30 =	sshrl.u32 s19, $0x3;
	s31 =	sshrl.u32 s11, $0x3  }
0x13: {  	s19 =	simm.s32 $0x3;
	s9 =	sadd.s32 s9, s30;
	s10 =	sadd.s32 s10, s31  }
0x14: {  	s11 =	sadd.s32 s31, s16;
	s12 =	sadd.s32 s31, s17;
	s13 =	sadd.s32 s31, s18  }
0x15: {  	s16 =	simm.s32 $0x400;
	s17 =	simm.s32 $0x18700;
	s18 =	simm.s32 $0x4  }
.LBB2_1:
0x16: {  	[tilespmem:s3], [sflag:$0x3] =	stream.strided.gather [hbm4b:s4+s15], $0x18700, s16, s15, $0x38;
	[tilespmem:$0x1EB00] =	vst v63  }
0x17: {  	s23 =	sshrl.u32 @!p0 s2, $0x3;
	s24 =	simm.s32 @!p0 $0x1C04  }
0x18: {  	[spmem:s23], [sflag:s24] =	dma.local @!p0 [hbm:s1], $0x800  }
0x19: {  	s23 =	simm.s32 @!p0 $0x4  }
0x1a: {  	_ =	swait.ge @!p0 [sflag:s23], $0x800  }
0x1b: {  	[sflag:s23] =	ssyncset.done @!p0 $0x0  }
0x1c: {  	[sflag:s23] =	ssyncadd.s32 @!p0 $0xFFFFF800  }
0x1d: {  	[bflag:$0x0] =	sbarrier.arrive $0xFFFF  }
0x1e: {  	[tilespmem:s17], [sflag:$0x4] =	stream.linear.gather [spmem:s2], $0x4000, $0x38;
	[tilespmem:$0x1EB00] =	vst v63  }
0x1f: {  	_ =	swait.ge [sflag:s18], $0x4000  }
0x20: {  	[sflag:s18] =	ssyncset.done $0x0  }
0x21: {  	[sflag:s18] =	ssyncadd.s32 $0xFFFFC000  }
0x22: {  	_ =	swait.ge [sflag:s19], $0x18700  }
0x23: {  	[sflag:s19] =	ssyncset.done $0x0  }
0x24: {  	s31 =	simm.s32 $0x18740;
	[sflag:s19] =	ssyncadd.s32 $0xFFFE7900  }
0x25: {  	v0 =	vld [tilespmem:s31+$0x30]  }
0x26: {  	v1 =	vld [tilespmem:s31+$0xFFFFFFD0]  }
0x27: {  	v2 =	vld [tilespmem:s31+$0xFFFFFFE0]  }
0x28: {  	v3 =	vld [tilespmem:s31+$0xFFFFFFF0]  }
0x29: {  	v4 =	vld [tilespmem:s31+$0x0]  }
0x2a: {  	v6 =	vld [tilespmem:s31+$0x10]  }
0x2b: {  	v7 =	vld [tilespmem:s31+$0x20]  }
0x2c: {  	v8 =	vld [tilespmem:s31+$0xFFFFFFC0]  }
0x2d: {  	v9 =	vld.idx.msk [tilespmem:v0+s3+$0x0], $0xffff  }
0x2e: {  	v10 =	vld.idx.msk [tilespmem:v1+s3+$0x0], $0xffff  }
0x2f: {  	v5 =	vld.idx.msk [tilespmem:v2+s3+$0x0], $0xffff  }
0x30: {  	v3 =	vld.idx.msk [tilespmem:v3+s3+$0x0], $0xffff  }
0x31: {  	v0 =	vld.idx.msk [tilespmem:v4+s3+$0x0], $0xffff  }
0x32: {  	s23 =	simm.s32 $0x1C740;
	v1 =	vld.idx.msk [tilespmem:v6+s3+$0x0], $0xffff  }
0x33: {  	v2 =	vld.idx.msk [tilespmem:v7+s3+$0x0], $0xffff;
	[tilespmem:s23+$0x30] =	vst v9  }
0x34: {  	s25 =	simm.s32 $0x187C0;
	s24 =	simm.s32 $0x0;
	v4 =	vld.idx.msk [tilespmem:v8+s3+$0x0], $0xffff;
	[tilespmem:s23+$0xFFFFFFD0] =	vst v10  }
.LBB2_2:
0x35: {  	v6 =	vld [tilespmem:s25+$0x30];
	s24 =	sadd.s32 $0x8, s24;
	[tilespmem:s23+$0xFFFFFFE0] =	vst v5  }
0x36: {  	v5 =	vld [tilespmem:s25+$0xFFFFFFD0];
	p1 =	slt.u32 s24, $0xF8;
	[tilespmem:s23+$0xFFFFFFF0] =	vst v3  }
0x37: {  	v3 =	vld [tilespmem:s25+$0xFFFFFFE0];
	[tilespmem:s23+$0x0] =	vst v0  }
0x38: {  	v0 =	vld [tilespmem:s25+$0xFFFFFFF0];
	[tilespmem:s23+$0x10] =	vst v1  }
0x39: {  	v1 =	vld [tilespmem:s25+$0x0];
	[tilespmem:s23+$0x20] =	vst v2  }
0x3a: {  	v2 =	vld [tilespmem:s25+$0x10];
	[tilespmem:s23+$0xFFFFFFC0] =	vst v4  }
0x3b: {  	v4 =	vld [tilespmem:s25+$0x20]  }
0x3c: {  	v7 =	vld [tilespmem:s25+$0xFFFFFFC0]  }
0x3d: {  	v6 =	vld.idx.msk [tilespmem:v6+s3+$0x0], $0xffff  }
0x3e: {  	v8 =	vld.idx.msk [tilespmem:v5+s3+$0x0], $0xffff  }
0x3f: {  	v5 =	vld.idx.msk [tilespmem:v3+s3+$0x0], $0xffff  }
.Ltmp0:
0x40: {  	v3 =	vld.idx.msk [tilespmem:v0+s3+$0x0], $0xffff;
	(pc) =	sbr.rel @p1 .LBB2_2-.Ltmp0, $4  }
0x41: {  	v0 =	vld.idx.msk [tilespmem:v1+s3+$0x0], $0xffff  }
0x42: {  	s23 =	sadd.s32 $0x100, s23;
	v1 =	vld.idx.msk [tilespmem:v2+s3+$0x0], $0xffff  }
0x43: {  	v2 =	vld.idx.msk [tilespmem:v4+s3+$0x0], $0xffff;
	[tilespmem:s23+$0x30] =	vst v6  }
0x44: {  	s25 =	sadd.s32 $0x80, s25;
	v4 =	vld.idx.msk [tilespmem:v7+s3+$0x0], $0xffff;
	[tilespmem:s23+$0xFFFFFFD0] =	vst v8  }
0x45: {  	[tilespmem:s23+$0xFFFFFFE0] =	vst v5  }
0x46: {  	[tilespmem:s23+$0xFFFFFFF0] =	vst v3  }
0x47: {  	[tilespmem:s23+$0x0] =	vst v0  }
0x48: {  	[tilespmem:s23+$0x10] =	vst v1  }
0x49: {  	[tilespmem:s23+$0x20] =	vst v2  }
0x4a: {  	s24 =	simm.s32 $0x1C700;
	[tilespmem:s23+$0xFFFFFFC0] =	vst v4;
	s23 =	simm.s32 $0x0  }
.LBB2_4:
0x4b: {  	p1 =	sne.s32 s23, $0xF80  }
.Ltmp1:
0x4c: {  	_ = 	snop;
	(pc) =	sbr.rel @p1 .LBB2_4-.Ltmp1, $4  }
0x4d: {  	_ = 	snop  }
0x4e: {  	s25 =	sadd.s32 s23, s5  }
0x4f: {  	[hbm4b:s25+s3] =	stream.linear.scatter [tilespmem:s24], [sflag:$0x1], $0x80, $0x38;
	[tilespmem:$0x1EB00] =	vst v63  }
0x50: {  	s23 =	sadd.s32 $0x80, s23;
	s24 =	sadd.s32 $0x100, s24  }
0x51: {  	s23 =	simm.s32 $0x19770  }
0x52: {  	v0 =	vld [tilespmem:s23+$0x0]  }
0x53: {  	v1 =	vld [tilespmem:s23+$0xFFFFFFA0]  }
0x54: {  	v2 =	vld [tilespmem:s23+$0xFFFFFFB0]  }
0x55: {  	v3 =	vld [tilespmem:s23+$0xFFFFFFC0]  }
0x56: {  	v4 =	vld [tilespmem:s23+$0xFFFFFFD0]  }
0x57: {  	v6 =	vld [tilespmem:s23+$0xFFFFFFE0]  }
0x58: {  	v7 =	vld [tilespmem:s23+$0xFFFFFFF0]  }
0x59: {  	v8 =	vld [tilespmem:s23+$0xFFFFFF90]  }
0x5a: {  	v9 =	vld.idx.msk [tilespmem:v0+s3+$0x0], $0xffff  }
0x5b: {  	v10 =	vld.idx.msk [tilespmem:v1+s3+$0x0], $0xffff  }
0x5c: {  	v5 =	vld.idx.msk [tilespmem:v2+s3+$0x0], $0xffff  }
0x5d: {  	v3 =	vld.idx.msk [tilespmem:v3+s3+$0x0], $0xffff  }
0x5e: {  	v0 =	vld.idx.msk [tilespmem:v4+s3+$0x0], $0xffff  }
0x5f: {  	s23 =	simm.s32 $0x1C7F0;
	v1 =	vld.idx.msk [tilespmem:v6+s3+$0x0], $0xffff  }
0x60: {  	v2 =	vld.idx.msk [tilespmem:v7+s3+$0x0], $0xffff;
	[tilespmem:s23+$0x0] =	vst v9  }
0x61: {  	s24 =	simm.s32 $0x0;
	s25 =	simm.s32 $0x197F0;
	v4 =	vld.idx.msk [tilespmem:v8+s3+$0x0], $0xffff;
	[tilespmem:s23+$0xFFFFFFA0] =	vst v10  }
.LBB2_6:
0x62: {  	v6 =	vld [tilespmem:s25+$0x0];
	s24 =	sadd.s32 $0x8, s24;
	[tilespmem:s23+$0xFFFFFFB0] =	vst v5  }
0x63: {  	v5 =	vld [tilespmem:s25+$0xFFFFFFA0];
	p1 =	slt.u32 s24, $0xF8;
	[tilespmem:s23+$0xFFFFFFC0] =	vst v3  }
0x64: {  	v3 =	vld [tilespmem:s25+$0xFFFFFFB0];
	[tilespmem:s23+$0xFFFFFFD0] =	vst v0  }
0x65: {  	v0 =	vld [tilespmem:s25+$0xFFFFFFC0];
	[tilespmem:s23+$0xFFFFFFE0] =	vst v1  }
0x66: {  	v1 =	vld [tilespmem:s25+$0xFFFFFFD0];
	[tilespmem:s23+$0xFFFFFFF0] =	vst v2  }
0x67: {  	v2 =	vld [tilespmem:s25+$0xFFFFFFE0];
	[tilespmem:s23+$0xFFFFFF90] =	vst v4  }
0x68: {  	v4 =	vld [tilespmem:s25+$0xFFFFFFF0]  }
0x69: {  	v7 =	vld [tilespmem:s25+$0xFFFFFF90]  }
0x6a: {  	v6 =	vld.idx.msk [tilespmem:v6+s3+$0x0], $0xffff  }
0x6b: {  	v8 =	vld.idx.msk [tilespmem:v5+s3+$0x0], $0xffff  }
0x6c: {  	v5 =	vld.idx.msk [tilespmem:v3+s3+$0x0], $0xffff  }
.Ltmp2:
0x6d: {  	v3 =	vld.idx.msk [tilespmem:v0+s3+$0x0], $0xffff;
	(pc) =	sbr.rel @p1 .LBB2_6-.Ltmp2, $4  }
0x6e: {  	v0 =	vld.idx.msk [tilespmem:v1+s3+$0x0], $0xffff  }
0x6f: {  	s23 =	sadd.s32 $0x100, s23;
	v1 =	vld.idx.msk [tilespmem:v2+s3+$0x0], $0xffff  }
0x70: {  	v2 =	vld.idx.msk [tilespmem:v4+s3+$0x0], $0xffff;
	[tilespmem:s23+$0x0] =	vst v6  }
0x71: {  	s25 =	sadd.s32 $0x80, s25;
	v4 =	vld.idx.msk [tilespmem:v7+s3+$0x0], $0xffff;
	[tilespmem:s23+$0xFFFFFFA0] =	vst v8  }
0x72: {  	[tilespmem:s23+$0xFFFFFFB0] =	vst v5  }
0x73: {  	[tilespmem:s23+$0xFFFFFFC0] =	vst v3  }
0x74: {  	[tilespmem:s23+$0xFFFFFFD0] =	vst v0  }
0x75: {  	[tilespmem:s23+$0xFFFFFFE0] =	vst v1  }
0x76: {  	s24 =	simm.s32 $0x1C780;
	[tilespmem:s23+$0xFFFFFFF0] =	vst v2  }
0x77: {  	s26 =	sadd.s32 $0x0, s6;
	s25 =	simm.s32 $0x1C880;
	[tilespmem:s23+$0xFFFFFF90] =	vst v4;
	s23 =	simm.s32 $0x80  }
.LBB2_8:
0x78: {  	[hbm4b:s26+s3] =	stream.linear.scatter [tilespmem:s24], [sflag:$0x2], $0x80, $0x38;
	[tilespmem:$0x1EB00] =	vst v63  }
0x79: {  	s26 =	smov.u32 s23;
	s24 =	smov.u32 s25;
	p1 =	sne.s32 s23, $0xF80  }
.Ltmp3:
0x7a: {  	s23 =	sadd.s32 $0x80, s23;
	(pc) =	sbr.rel @p1 .LBB2_8-.Ltmp3, $2  }
0x7b: {  	_ =	sdelay $0x2  }
0x7c: {  	s25 =	sadd.s32 $0x100, s25;
	s26 =	sadd.s32 s26, s6  }
0x7d: {  	[hbm4b:s26+s3] =	stream.linear.scatter [tilespmem:s24], [sflag:$0x2], $0x80, $0x38;
	[tilespmem:$0x1EB00] =	vst v63  }
0x7e: {  	_ =	swait.ge [sflag:s20], $0x1000  }
0x7f: {  	[sflag:s20] =	ssyncset.done $0x0  }
0x80: {  	s23 =	simm.s32 $0x1A770;
	[sflag:s20] =	ssyncadd.s32 $0xFFFFF000  }
0x81: {  	v0 =	vld [tilespmem:s23+$0x0]  }
0x82: {  	v1 =	vld [tilespmem:s23+$0xFFFFFFA0]  }
0x83: {  	v2 =	vld [tilespmem:s23+$0xFFFFFFB0]  }
0x84: {  	v3 =	vld [tilespmem:s23+$0xFFFFFFC0]  }
0x85: {  	v4 =	vld [tilespmem:s23+$0xFFFFFFD0]  }
0x86: {  	v6 =	vld [tilespmem:s23+$0xFFFFFFE0]  }
0x87: {  	v7 =	vld [tilespmem:s23+$0xFFFFFFF0]  }
0x88: {  	v8 =	vld [tilespmem:s23+$0xFFFFFF90]  }
0x89: {  	v9 =	vld.idx.msk [tilespmem:v0+s3+$0x0], $0xffff  }
0x8a: {  	v10 =	vld.idx.msk [tilespmem:v1+s3+$0x0], $0xffff  }
0x8b: {  	v5 =	vld.idx.msk [tilespmem:v2+s3+$0x0], $0xffff  }
0x8c: {  	v3 =	vld.idx.msk [tilespmem:v3+s3+$0x0], $0xffff  }
0x8d: {  	v0 =	vld.idx.msk [tilespmem:v4+s3+$0x0], $0xffff  }
0x8e: {  	s23 =	simm.s32 $0x1C740;
	v1 =	vld.idx.msk [tilespmem:v6+s3+$0x0], $0xffff  }
0x8f: {  	v2 =	vld.idx.msk [tilespmem:v7+s3+$0x0], $0xffff;
	[tilespmem:s23+$0x30] =	vst v9  }
0x90: {  	s24 =	simm.s32 $0x0;
	s25 =	simm.s32 $0x1A7F0;
	v4 =	vld.idx.msk [tilespmem:v8+s3+$0x0], $0xffff;
	[tilespmem:s23+$0xFFFFFFD0] =	vst v10  }
.LBB2_10:
0x91: {  	v6 =	vld [tilespmem:s25+$0x0];
	s24 =	sadd.s32 $0x8, s24;
	[tilespmem:s23+$0xFFFFFFE0] =	vst v5  }
0x92: {  	v5 =	vld [tilespmem:s25+$0xFFFFFFA0];
	p1 =	slt.u32 s24, $0xF8;
	[tilespmem:s23+$0xFFFFFFF0] =	vst v3  }
0x93: {  	v3 =	vld [tilespmem:s25+$0xFFFFFFB0];
	[tilespmem:s23+$0x0] =	vst v0  }
0x94: {  	v0 =	vld [tilespmem:s25+$0xFFFFFFC0];
	[tilespmem:s23+$0x10] =	vst v1  }
0x95: {  	v1 =	vld [tilespmem:s25+$0xFFFFFFD0];
	[tilespmem:s23+$0x20] =	vst v2  }
0x96: {  	v2 =	vld [tilespmem:s25+$0xFFFFFFE0];
	[tilespmem:s23+$0xFFFFFFC0] =	vst v4  }
0x97: {  	v4 =	vld [tilespmem:s25+$0xFFFFFFF0]  }
0x98: {  	v7 =	vld [tilespmem:s25+$0xFFFFFF90]  }
0x99: {  	v6 =	vld.idx.msk [tilespmem:v6+s3+$0x0], $0xffff  }
0x9a: {  	v8 =	vld.idx.msk [tilespmem:v5+s3+$0x0], $0xffff  }
0x9b: {  	v5 =	vld.idx.msk [tilespmem:v3+s3+$0x0], $0xffff  }
.Ltmp4:
0x9c: {  	v3 =	vld.idx.msk [tilespmem:v0+s3+$0x0], $0xffff;
	(pc) =	sbr.rel @p1 .LBB2_10-.Ltmp4, $4  }
0x9d: {  	v0 =	vld.idx.msk [tilespmem:v1+s3+$0x0], $0xffff  }
0x9e: {  	s23 =	sadd.s32 $0x100, s23;
	v1 =	vld.idx.msk [tilespmem:v2+s3+$0x0], $0xffff  }
0x9f: {  	v2 =	vld.idx.msk [tilespmem:v4+s3+$0x0], $0xffff;
	[tilespmem:s23+$0x30] =	vst v6  }
0xa0: {  	s25 =	sadd.s32 $0x80, s25;
	v4 =	vld.idx.msk [tilespmem:v7+s3+$0x0], $0xffff;
	[tilespmem:s23+$0xFFFFFFD0] =	vst v8  }
0xa1: {  	[tilespmem:s23+$0xFFFFFFE0] =	vst v5  }
0xa2: {  	[tilespmem:s23+$0xFFFFFFF0] =	vst v3  }
0xa3: {  	[tilespmem:s23+$0x0] =	vst v0  }
0xa4: {  	[tilespmem:s23+$0x10] =	vst v1  }
0xa5: {  	s24 =	simm.s32 $0x1C700;
	[tilespmem:s23+$0x20] =	vst v2  }
0xa6: {  	s26 =	sadd.s32 $0x0, s7;
	s25 =	simm.s32 $0x1C800;
	[tilespmem:s23+$0xFFFFFFC0] =	vst v4;
	s23 =	simm.s32 $0x80  }
.LBB2_12:
0xa7: {  	[hbm4b:s26+s3] =	stream.linear.scatter [tilespmem:s24], [sflag:$0x1], $0x80, $0x38;
	[tilespmem:$0x1EB00] =	vst v63  }
0xa8: {  	s26 =	smov.u32 s23;
	s24 =	smov.u32 s25;
	p1 =	sne.s32 s23, $0xF80  }
.Ltmp5:
0xa9: {  	s23 =	sadd.s32 $0x80, s23;
	(pc) =	sbr.rel @p1 .LBB2_12-.Ltmp5, $2  }
0xaa: {  	_ =	sdelay $0x2  }
0xab: {  	s25 =	sadd.s32 $0x100, s25;
	s26 =	sadd.s32 s26, s7  }
0xac: {  	[hbm4b:s26+s3] =	stream.linear.scatter [tilespmem:s24], [sflag:$0x1], $0x80, $0x38;
	[tilespmem:$0x1EB00] =	vst v63  }
0xad: {  	_ =	swait.ge [sflag:s21], $0x1000  }
0xae: {  	[sflag:s21] =	ssyncset.done $0x0  }
0xaf: {  	s23 =	simm.s32 $0x1B770;
	[sflag:s21] =	ssyncadd.s32 $0xFFFFF000  }
0xb0: {  	v0 =	vld [tilespmem:s23+$0x0]  }
0xb1: {  	v1 =	vld [tilespmem:s23+$0xFFFFFFA0]  }
0xb2: {  	v2 =	vld [tilespmem:s23+$0xFFFFFFB0]  }
0xb3: {  	v3 =	vld [tilespmem:s23+$0xFFFFFFC0]  }
0xb4: {  	v4 =	vld [tilespmem:s23+$0xFFFFFFD0]  }
0xb5: {  	v6 =	vld [tilespmem:s23+$0xFFFFFFE0]  }
0xb6: {  	v7 =	vld [tilespmem:s23+$0xFFFFFFF0]  }
0xb7: {  	v8 =	vld [tilespmem:s23+$0xFFFFFF90]  }
0xb8: {  	v9 =	vld.idx.msk [tilespmem:v0+s3+$0x0], $0xffff  }
0xb9: {  	v10 =	vld.idx.msk [tilespmem:v1+s3+$0x0], $0xffff  }
0xba: {  	v5 =	vld.idx.msk [tilespmem:v2+s3+$0x0], $0xffff  }
0xbb: {  	v3 =	vld.idx.msk [tilespmem:v3+s3+$0x0], $0xffff  }
0xbc: {  	v0 =	vld.idx.msk [tilespmem:v4+s3+$0x0], $0xffff  }
0xbd: {  	s23 =	simm.s32 $0x1C7F0;
	v1 =	vld.idx.msk [tilespmem:v6+s3+$0x0], $0xffff  }
0xbe: {  	v2 =	vld.idx.msk [tilespmem:v7+s3+$0x0], $0xffff;
	[tilespmem:s23+$0x0] =	vst v9  }
0xbf: {  	s24 =	simm.s32 $0x0;
	s25 =	simm.s32 $0x1B7F0;
	v4 =	vld.idx.msk [tilespmem:v8+s3+$0x0], $0xffff;
	[tilespmem:s23+$0xFFFFFFA0] =	vst v10  }
.LBB2_14:
0xc0: {  	v6 =	vld [tilespmem:s25+$0x0];
	s24 =	sadd.s32 $0x8, s24;
	[tilespmem:s23+$0xFFFFFFB0] =	vst v5  }
0xc1: {  	v5 =	vld [tilespmem:s25+$0xFFFFFFA0];
	p1 =	slt.u32 s24, $0xF8;
	[tilespmem:s23+$0xFFFFFFC0] =	vst v3  }
0xc2: {  	v3 =	vld [tilespmem:s25+$0xFFFFFFB0];
	[tilespmem:s23+$0xFFFFFFD0] =	vst v0  }
0xc3: {  	v0 =	vld [tilespmem:s25+$0xFFFFFFC0];
	[tilespmem:s23+$0xFFFFFFE0] =	vst v1  }
0xc4: {  	v1 =	vld [tilespmem:s25+$0xFFFFFFD0];
	[tilespmem:s23+$0xFFFFFFF0] =	vst v2  }
0xc5: {  	v2 =	vld [tilespmem:s25+$0xFFFFFFE0];
	[tilespmem:s23+$0xFFFFFF90] =	vst v4  }
0xc6: {  	v4 =	vld [tilespmem:s25+$0xFFFFFFF0]  }
0xc7: {  	v7 =	vld [tilespmem:s25+$0xFFFFFF90]  }
0xc8: {  	v6 =	vld.idx.msk [tilespmem:v6+s3+$0x0], $0xffff  }
0xc9: {  	v8 =	vld.idx.msk [tilespmem:v5+s3+$0x0], $0xffff  }
0xca: {  	v5 =	vld.idx.msk [tilespmem:v3+s3+$0x0], $0xffff  }
.Ltmp6:
0xcb: {  	v3 =	vld.idx.msk [tilespmem:v0+s3+$0x0], $0xffff;
	(pc) =	sbr.rel @p1 .LBB2_14-.Ltmp6, $4  }
0xcc: {  	v0 =	vld.idx.msk [tilespmem:v1+s3+$0x0], $0xffff  }
0xcd: {  	s23 =	sadd.s32 $0x100, s23;
	v1 =	vld.idx.msk [tilespmem:v2+s3+$0x0], $0xffff  }
0xce: {  	v2 =	vld.idx.msk [tilespmem:v4+s3+$0x0], $0xffff;
	[tilespmem:s23+$0x0] =	vst v6  }
0xcf: {  	s25 =	sadd.s32 $0x80, s25;
	v4 =	vld.idx.msk [tilespmem:v7+s3+$0x0], $0xffff;
	[tilespmem:s23+$0xFFFFFFA0] =	vst v8  }
0xd0: {  	[tilespmem:s23+$0xFFFFFFB0] =	vst v5  }
0xd1: {  	[tilespmem:s23+$0xFFFFFFC0] =	vst v3  }
0xd2: {  	[tilespmem:s23+$0xFFFFFFD0] =	vst v0  }
0xd3: {  	[tilespmem:s23+$0xFFFFFFE0] =	vst v1  }
0xd4: {  	s24 =	simm.s32 $0x1C780;
	[tilespmem:s23+$0xFFFFFFF0] =	vst v2  }
0xd5: {  	s26 =	sadd.s32 $0x0, s8;
	s25 =	simm.s32 $0x1C880;
	[tilespmem:s23+$0xFFFFFF90] =	vst v4;
	s23 =	simm.s32 $0x80  }
.LBB2_16:
0xd6: {  	[hbm4b:s26+s3] =	stream.linear.scatter [tilespmem:s24], [sflag:$0x2], $0x80, $0x38;
	[tilespmem:$0x1EB00] =	vst v63  }
0xd7: {  	s26 =	smov.u32 s23;
	s24 =	smov.u32 s25;
	p1 =	sne.s32 s23, $0xF80  }
.Ltmp7:
0xd8: {  	s23 =	sadd.s32 $0x80, s23;
	(pc) =	sbr.rel @p1 .LBB2_16-.Ltmp7, $2  }
0xd9: {  	_ =	sdelay $0x2  }
0xda: {  	s25 =	sadd.s32 $0x100, s25;
	s26 =	sadd.s32 s26, s8  }
0xdb: {  	[hbm4b:s26+s3] =	stream.linear.scatter [tilespmem:s24], [sflag:$0x2], $0x80, $0x38;
	[tilespmem:$0x1EB00] =	vst v63  }
0xdc: {  	_ = 	snop  }
0xdd: {  	[tilespmem:s3], [sflag:$0x4] =	stream.strided.gather [hbm4b:s9+s15], $0x18700, s16, s15, $0x38;
	[tilespmem:$0x1EB00] =	vst v63  }
0xde: {  	_ =	swait.ge [sflag:s18], $0x18700  }
0xdf: {  	[sflag:s18] =	ssyncset.done $0x0  }
0xe0: {  	[sflag:s18] =	ssyncadd.s32 $0xFFFE7900  }
0xe1: {  	_ =	swait.ge [sflag:s20], $0x1000  }
0xe2: {  	[sflag:s20] =	ssyncset.done $0x0  }
0xe3: {  	s23 =	simm.s32 $0x18740;
	[sflag:s20] =	ssyncadd.s32 $0xFFFFF000  }
0xe4: {  	v0 =	vld [tilespmem:s23+$0x30]  }
0xe5: {  	v1 =	vld [tilespmem:s23+$0xFFFFFFD0]  }
0xe6: {  	v2 =	vld [tilespmem:s23+$0xFFFFFFE0]  }
0xe7: {  	v3 =	vld [tilespmem:s23+$0xFFFFFFF0]  }
0xe8: {  	v4 =	vld [tilespmem:s23+$0x0]  }
0xe9: {  	v6 =	vld [tilespmem:s23+$0x10]  }
0xea: {  	v7 =	vld [tilespmem:s23+$0x20]  }
0xeb: {  	v8 =	vld [tilespmem:s23+$0xFFFFFFC0]  }
0xec: {  	v9 =	vld.idx.msk [tilespmem:v0+s3+$0x0], $0xffff  }
0xed: {  	v10 =	vld.idx.msk [tilespmem:v1+s3+$0x0], $0xffff  }
0xee: {  	v5 =	vld.idx.msk [tilespmem:v2+s3+$0x0], $0xffff  }
0xef: {  	v3 =	vld.idx.msk [tilespmem:v3+s3+$0x0], $0xffff  }
0xf0: {  	v0 =	vld.idx.msk [tilespmem:v4+s3+$0x0], $0xffff  }
0xf1: {  	s23 =	simm.s32 $0x1C740;
	v1 =	vld.idx.msk [tilespmem:v6+s3+$0x0], $0xffff  }
0xf2: {  	v2 =	vld.idx.msk [tilespmem:v7+s3+$0x0], $0xffff;
	[tilespmem:s23+$0x30] =	vst v9  }
0xf3: {  	s24 =	simm.s32 $0x0;
	s25 =	simm.s32 $0x187C0;
	v4 =	vld.idx.msk [tilespmem:v8+s3+$0x0], $0xffff;
	[tilespmem:s23+$0xFFFFFFD0] =	vst v10  }
.LBB2_18:
0xf4: {  	v6 =	vld [tilespmem:s25+$0x30];
	s24 =	sadd.s32 $0x8, s24;
	[tilespmem:s23+$0xFFFFFFE0] =	vst v5  }
0xf5: {  	v5 =	vld [tilespmem:s25+$0xFFFFFFD0];
	p1 =	slt.u32 s24, $0xF8;
	[tilespmem:s23+$0xFFFFFFF0] =	vst v3  }
0xf6: {  	v3 =	vld [tilespmem:s25+$0xFFFFFFE0];
	[tilespmem:s23+$0x0] =	vst v0  }
0xf7: {  	v0 =	vld [tilespmem:s25+$0xFFFFFFF0];
	[tilespmem:s23+$0x10] =	vst v1  }
0xf8: {  	v1 =	vld [tilespmem:s25+$0x0];
	[tilespmem:s23+$0x20] =	vst v2  }
0xf9: {  	v2 =	vld [tilespmem:s25+$0x10];
	[tilespmem:s23+$0xFFFFFFC0] =	vst v4  }
0xfa: {  	v4 =	vld [tilespmem:s25+$0x20]  }
0xfb: {  	v7 =	vld [tilespmem:s25+$0xFFFFFFC0]  }
0xfc: {  	v6 =	vld.idx.msk [tilespmem:v6+s3+$0x0], $0xffff  }
0xfd: {  	v8 =	vld.idx.msk [tilespmem:v5+s3+$0x0], $0xffff  }
0xfe: {  	v5 =	vld.idx.msk [tilespmem:v3+s3+$0x0], $0xffff  }
.Ltmp8:
0xff: {  	v3 =	vld.idx.msk [tilespmem:v0+s3+$0x0], $0xffff;
	(pc) =	sbr.rel @p1 .LBB2_18-.Ltmp8, $4  }
0x100: {  	v0 =	vld.idx.msk [tilespmem:v1+s3+$0x0], $0xffff  }
0x101: {  	s23 =	sadd.s32 $0x100, s23;
	v1 =	vld.idx.msk [tilespmem:v2+s3+$0x0], $0xffff  }
0x102: {  	v2 =	vld.idx.msk [tilespmem:v4+s3+$0x0], $0xffff;
	[tilespmem:s23+$0x30] =	vst v6  }
0x103: {  	s25 =	sadd.s32 $0x80, s25;
	v4 =	vld.idx.msk [tilespmem:v7+s3+$0x0], $0xffff;
	[tilespmem:s23+$0xFFFFFFD0] =	vst v8  }
0x104: {  	[tilespmem:s23+$0xFFFFFFE0] =	vst v5  }
0x105: {  	[tilespmem:s23+$0xFFFFFFF0] =	vst v3  }
0x106: {  	[tilespmem:s23+$0x0] =	vst v0  }
0x107: {  	[tilespmem:s23+$0x10] =	vst v1  }
0x108: {  	s24 =	simm.s32 $0x1C700;
	[tilespmem:s23+$0x20] =	vst v2  }
0x109: {  	s26 =	sadd.s32 $0x0, s10;
	s25 =	simm.s32 $0x1C800;
	[tilespmem:s23+$0xFFFFFFC0] =	vst v4;
	s23 =	simm.s32 $0x80  }
.LBB2_20:
0x10a: {  	[hbm4b:s26+s3] =	stream.linear.scatter [tilespmem:s24], [sflag:$0x1], $0x80, $0x38;
	[tilespmem:$0x1EB00] =	vst v63  }
0x10b: {  	s26 =	smov.u32 s23;
	s24 =	smov.u32 s25;
	p1 =	sne.s32 s23, $0xF80  }
.Ltmp9:
0x10c: {  	s23 =	sadd.s32 $0x80, s23;
	(pc) =	sbr.rel @p1 .LBB2_20-.Ltmp9, $2  }
0x10d: {  	_ =	sdelay $0x2  }
0x10e: {  	s25 =	sadd.s32 $0x100, s25;
	s26 =	sadd.s32 s26, s10  }
0x10f: {  	[hbm4b:s26+s3] =	stream.linear.scatter [tilespmem:s24], [sflag:$0x1], $0x80, $0x38;
	[tilespmem:$0x1EB00] =	vst v63  }
0x110: {  	_ =	swait.ge [sflag:s21], $0x1000  }
0x111: {  	[sflag:s21] =	ssyncset.done $0x0  }
0x112: {  	s23 =	simm.s32 $0x19770;
	[sflag:s21] =	ssyncadd.s32 $0xFFFFF000  }
0x113: {  	v0 =	vld [tilespmem:s23+$0x0]  }
0x114: {  	v1 =	vld [tilespmem:s23+$0xFFFFFFA0]  }
0x115: {  	v2 =	vld [tilespmem:s23+$0xFFFFFFB0]  }
0x116: {  	v3 =	vld [tilespmem:s23+$0xFFFFFFC0]  }
0x117: {  	v4 =	vld [tilespmem:s23+$0xFFFFFFD0]  }
0x118: {  	v6 =	vld [tilespmem:s23+$0xFFFFFFE0]  }
0x119: {  	v7 =	vld [tilespmem:s23+$0xFFFFFFF0]  }
0x11a: {  	v8 =	vld [tilespmem:s23+$0xFFFFFF90]  }
0x11b: {  	v9 =	vld.idx.msk [tilespmem:v0+s3+$0x0], $0xffff  }
0x11c: {  	v10 =	vld.idx.msk [tilespmem:v1+s3+$0x0], $0xffff  }
0x11d: {  	v5 =	vld.idx.msk [tilespmem:v2+s3+$0x0], $0xffff  }
0x11e: {  	v3 =	vld.idx.msk [tilespmem:v3+s3+$0x0], $0xffff  }
0x11f: {  	v0 =	vld.idx.msk [tilespmem:v4+s3+$0x0], $0xffff  }
0x120: {  	s23 =	simm.s32 $0x1C7F0;
	v1 =	vld.idx.msk [tilespmem:v6+s3+$0x0], $0xffff  }
0x121: {  	v2 =	vld.idx.msk [tilespmem:v7+s3+$0x0], $0xffff;
	[tilespmem:s23+$0x0] =	vst v9  }
0x122: {  	s24 =	simm.s32 $0x0;
	s25 =	simm.s32 $0x197F0;
	v4 =	vld.idx.msk [tilespmem:v8+s3+$0x0], $0xffff;
	[tilespmem:s23+$0xFFFFFFA0] =	vst v10  }
.LBB2_22:
0x123: {  	v6 =	vld [tilespmem:s25+$0x0];
	s24 =	sadd.s32 $0x8, s24;
	[tilespmem:s23+$0xFFFFFFB0] =	vst v5  }
0x124: {  	v5 =	vld [tilespmem:s25+$0xFFFFFFA0];
	p1 =	slt.u32 s24, $0xF8;
	[tilespmem:s23+$0xFFFFFFC0] =	vst v3  }
0x125: {  	v3 =	vld [tilespmem:s25+$0xFFFFFFB0];
	[tilespmem:s23+$0xFFFFFFD0] =	vst v0  }
0x126: {  	v0 =	vld [tilespmem:s25+$0xFFFFFFC0];
	[tilespmem:s23+$0xFFFFFFE0] =	vst v1  }
0x127: {  	v1 =	vld [tilespmem:s25+$0xFFFFFFD0];
	[tilespmem:s23+$0xFFFFFFF0] =	vst v2  }
0x128: {  	v2 =	vld [tilespmem:s25+$0xFFFFFFE0];
	[tilespmem:s23+$0xFFFFFF90] =	vst v4  }
0x129: {  	v4 =	vld [tilespmem:s25+$0xFFFFFFF0]  }
0x12a: {  	v7 =	vld [tilespmem:s25+$0xFFFFFF90]  }
0x12b: {  	v6 =	vld.idx.msk [tilespmem:v6+s3+$0x0], $0xffff  }
0x12c: {  	v8 =	vld.idx.msk [tilespmem:v5+s3+$0x0], $0xffff  }
0x12d: {  	v5 =	vld.idx.msk [tilespmem:v3+s3+$0x0], $0xffff  }
.Ltmp10:
0x12e: {  	v3 =	vld.idx.msk [tilespmem:v0+s3+$0x0], $0xffff;
	(pc) =	sbr.rel @p1 .LBB2_22-.Ltmp10, $4  }
0x12f: {  	v0 =	vld.idx.msk [tilespmem:v1+s3+$0x0], $0xffff  }
0x130: {  	s23 =	sadd.s32 $0x100, s23;
	v1 =	vld.idx.msk [tilespmem:v2+s3+$0x0], $0xffff  }
0x131: {  	v2 =	vld.idx.msk [tilespmem:v4+s3+$0x0], $0xffff;
	[tilespmem:s23+$0x0] =	vst v6  }
0x132: {  	s25 =	sadd.s32 $0x80, s25;
	v4 =	vld.idx.msk [tilespmem:v7+s3+$0x0], $0xffff;
	[tilespmem:s23+$0xFFFFFFA0] =	vst v8  }
0x133: {  	[tilespmem:s23+$0xFFFFFFB0] =	vst v5  }
0x134: {  	[tilespmem:s23+$0xFFFFFFC0] =	vst v3  }
0x135: {  	[tilespmem:s23+$0xFFFFFFD0] =	vst v0  }
0x136: {  	[tilespmem:s23+$0xFFFFFFE0] =	vst v1  }
0x137: {  	s24 =	simm.s32 $0x1C780;
	[tilespmem:s23+$0xFFFFFFF0] =	vst v2  }
0x138: {  	s26 =	sadd.s32 $0x0, s11;
	s25 =	simm.s32 $0x1C880;
	[tilespmem:s23+$0xFFFFFF90] =	vst v4;
	s23 =	simm.s32 $0x80  }
.LBB2_24:
0x139: {  	[hbm4b:s26+s3] =	stream.linear.scatter [tilespmem:s24], [sflag:$0x2], $0x80, $0x38;
	[tilespmem:$0x1EB00] =	vst v63  }
0x13a: {  	s26 =	smov.u32 s23;
	s24 =	smov.u32 s25;
	p1 =	sne.s32 s23, $0xF80  }
.Ltmp11:
0x13b: {  	s23 =	sadd.s32 $0x80, s23;
	(pc) =	sbr.rel @p1 .LBB2_24-.Ltmp11, $2  }
0x13c: {  	_ =	sdelay $0x2  }
0x13d: {  	s25 =	sadd.s32 $0x100, s25;
	s26 =	sadd.s32 s26, s11  }
0x13e: {  	[hbm4b:s26+s3] =	stream.linear.scatter [tilespmem:s24], [sflag:$0x2], $0x80, $0x38;
	[tilespmem:$0x1EB00] =	vst v63  }
0x13f: {  	_ =	swait.ge [sflag:s20], $0x1000  }
0x140: {  	[sflag:s20] =	ssyncset.done $0x0  }
0x141: {  	s23 =	simm.s32 $0x1A770;
	[sflag:s20] =	ssyncadd.s32 $0xFFFFF000  }
0x142: {  	v0 =	vld [tilespmem:s23+$0x0]  }
0x143: {  	v1 =	vld [tilespmem:s23+$0xFFFFFFA0]  }
0x144: {  	v2 =	vld [tilespmem:s23+$0xFFFFFFB0]  }
0x145: {  	v3 =	vld [tilespmem:s23+$0xFFFFFFC0]  }
0x146: {  	v4 =	vld [tilespmem:s23+$0xFFFFFFD0]  }
0x147: {  	v6 =	vld [tilespmem:s23+$0xFFFFFFE0]  }
0x148: {  	v7 =	vld [tilespmem:s23+$0xFFFFFFF0]  }
0x149: {  	v8 =	vld [tilespmem:s23+$0xFFFFFF90]  }
0x14a: {  	v9 =	vld.idx.msk [tilespmem:v0+s3+$0x0], $0xffff  }
0x14b: {  	v10 =	vld.idx.msk [tilespmem:v1+s3+$0x0], $0xffff  }
0x14c: {  	v5 =	vld.idx.msk [tilespmem:v2+s3+$0x0], $0xffff  }
0x14d: {  	v3 =	vld.idx.msk [tilespmem:v3+s3+$0x0], $0xffff  }
0x14e: {  	v0 =	vld.idx.msk [tilespmem:v4+s3+$0x0], $0xffff  }
0x14f: {  	s23 =	simm.s32 $0x1C740;
	v1 =	vld.idx.msk [tilespmem:v6+s3+$0x0], $0xffff  }
0x150: {  	v2 =	vld.idx.msk [tilespmem:v7+s3+$0x0], $0xffff;
	[tilespmem:s23+$0x30] =	vst v9  }
0x151: {  	s24 =	simm.s32 $0x0;
	s25 =	simm.s32 $0x1A7F0;
	v4 =	vld.idx.msk [tilespmem:v8+s3+$0x0], $0xffff;
	[tilespmem:s23+$0xFFFFFFD0] =	vst v10  }
.LBB2_26:
0x152: {  	v6 =	vld [tilespmem:s25+$0x0];
	s24 =	sadd.s32 $0x8, s24;
	[tilespmem:s23+$0xFFFFFFE0] =	vst v5  }
0x153: {  	v5 =	vld [tilespmem:s25+$0xFFFFFFA0];
	p1 =	slt.u32 s24, $0xF8;
	[tilespmem:s23+$0xFFFFFFF0] =	vst v3  }
0x154: {  	v3 =	vld [tilespmem:s25+$0xFFFFFFB0];
	[tilespmem:s23+$0x0] =	vst v0  }
0x155: {  	v0 =	vld [tilespmem:s25+$0xFFFFFFC0];
	[tilespmem:s23+$0x10] =	vst v1  }
0x156: {  	v1 =	vld [tilespmem:s25+$0xFFFFFFD0];
	[tilespmem:s23+$0x20] =	vst v2  }
0x157: {  	v2 =	vld [tilespmem:s25+$0xFFFFFFE0];
	[tilespmem:s23+$0xFFFFFFC0] =	vst v4  }
0x158: {  	v4 =	vld [tilespmem:s25+$0xFFFFFFF0]  }
0x159: {  	v7 =	vld [tilespmem:s25+$0xFFFFFF90]  }
0x15a: {  	v6 =	vld.idx.msk [tilespmem:v6+s3+$0x0], $0xffff  }
0x15b: {  	v8 =	vld.idx.msk [tilespmem:v5+s3+$0x0], $0xffff  }
0x15c: {  	v5 =	vld.idx.msk [tilespmem:v3+s3+$0x0], $0xffff  }
.Ltmp12:
0x15d: {  	v3 =	vld.idx.msk [tilespmem:v0+s3+$0x0], $0xffff;
	(pc) =	sbr.rel @p1 .LBB2_26-.Ltmp12, $4  }
0x15e: {  	v0 =	vld.idx.msk [tilespmem:v1+s3+$0x0], $0xffff  }
0x15f: {  	s23 =	sadd.s32 $0x100, s23;
	v1 =	vld.idx.msk [tilespmem:v2+s3+$0x0], $0xffff  }
0x160: {  	v2 =	vld.idx.msk [tilespmem:v4+s3+$0x0], $0xffff;
	[tilespmem:s23+$0x30] =	vst v6  }
0x161: {  	s25 =	sadd.s32 $0x80, s25;
	v4 =	vld.idx.msk [tilespmem:v7+s3+$0x0], $0xffff;
	[tilespmem:s23+$0xFFFFFFD0] =	vst v8  }
0x162: {  	[tilespmem:s23+$0xFFFFFFE0] =	vst v5  }
0x163: {  	[tilespmem:s23+$0xFFFFFFF0] =	vst v3  }
0x164: {  	[tilespmem:s23+$0x0] =	vst v0  }
0x165: {  	[tilespmem:s23+$0x10] =	vst v1  }
0x166: {  	s24 =	simm.s32 $0x1C700;
	[tilespmem:s23+$0x20] =	vst v2  }
0x167: {  	s26 =	sadd.s32 $0x0, s12;
	s25 =	simm.s32 $0x1C800;
	[tilespmem:s23+$0xFFFFFFC0] =	vst v4;
	s23 =	simm.s32 $0x80  }
.LBB2_28:
0x168: {  	[hbm4b:s26+s3] =	stream.linear.scatter [tilespmem:s24], [sflag:$0x1], $0x80, $0x38;
	[tilespmem:$0x1EB00] =	vst v63  }
0x169: {  	s26 =	smov.u32 s23;
	s24 =	smov.u32 s25;
	p1 =	sne.s32 s23, $0xF80  }
.Ltmp13:
0x16a: {  	s23 =	sadd.s32 $0x80, s23;
	(pc) =	sbr.rel @p1 .LBB2_28-.Ltmp13, $2  }
0x16b: {  	_ =	sdelay $0x2  }
0x16c: {  	s25 =	sadd.s32 $0x100, s25;
	s26 =	sadd.s32 s26, s12  }
0x16d: {  	[hbm4b:s26+s3] =	stream.linear.scatter [tilespmem:s24], [sflag:$0x1], $0x80, $0x38;
	[tilespmem:$0x1EB00] =	vst v63  }
0x16e: {  	_ =	swait.ge [sflag:s21], $0x1000  }
0x16f: {  	[sflag:s21] =	ssyncset.done $0x0  }
0x170: {  	s23 =	simm.s32 $0x1B770;
	[sflag:s21] =	ssyncadd.s32 $0xFFFFF000  }
0x171: {  	v0 =	vld [tilespmem:s23+$0x0]  }
0x172: {  	v1 =	vld [tilespmem:s23+$0xFFFFFFA0]  }
0x173: {  	v2 =	vld [tilespmem:s23+$0xFFFFFFB0]  }
0x174: {  	v3 =	vld [tilespmem:s23+$0xFFFFFFC0]  }
0x175: {  	v4 =	vld [tilespmem:s23+$0xFFFFFFD0]  }
0x176: {  	v6 =	vld [tilespmem:s23+$0xFFFFFFE0]  }
0x177: {  	v7 =	vld [tilespmem:s23+$0xFFFFFFF0]  }
0x178: {  	v8 =	vld [tilespmem:s23+$0xFFFFFF90]  }
0x179: {  	v9 =	vld.idx.msk [tilespmem:v0+s3+$0x0], $0xffff  }
0x17a: {  	v10 =	vld.idx.msk [tilespmem:v1+s3+$0x0], $0xffff  }
0x17b: {  	v5 =	vld.idx.msk [tilespmem:v2+s3+$0x0], $0xffff  }
0x17c: {  	v3 =	vld.idx.msk [tilespmem:v3+s3+$0x0], $0xffff  }
0x17d: {  	v0 =	vld.idx.msk [tilespmem:v4+s3+$0x0], $0xffff  }
0x17e: {  	s23 =	simm.s32 $0x1C7F0;
	v1 =	vld.idx.msk [tilespmem:v6+s3+$0x0], $0xffff  }
0x17f: {  	v2 =	vld.idx.msk [tilespmem:v7+s3+$0x0], $0xffff;
	[tilespmem:s23+$0x0] =	vst v9  }
0x180: {  	s24 =	simm.s32 $0x0;
	s25 =	simm.s32 $0x1B7F0;
	v4 =	vld.idx.msk [tilespmem:v8+s3+$0x0], $0xffff;
	[tilespmem:s23+$0xFFFFFFA0] =	vst v10  }
.LBB2_30:
0x181: {  	v6 =	vld [tilespmem:s25+$0x0];
	s24 =	sadd.s32 $0x8, s24;
	[tilespmem:s23+$0xFFFFFFB0] =	vst v5  }
0x182: {  	v5 =	vld [tilespmem:s25+$0xFFFFFFA0];
	p1 =	slt.u32 s24, $0xF8;
	[tilespmem:s23+$0xFFFFFFC0] =	vst v3  }
0x183: {  	v3 =	vld [tilespmem:s25+$0xFFFFFFB0];
	[tilespmem:s23+$0xFFFFFFD0] =	vst v0  }
0x184: {  	v0 =	vld [tilespmem:s25+$0xFFFFFFC0];
	[tilespmem:s23+$0xFFFFFFE0] =	vst v1  }
0x185: {  	v1 =	vld [tilespmem:s25+$0xFFFFFFD0];
	[tilespmem:s23+$0xFFFFFFF0] =	vst v2  }
0x186: {  	v2 =	vld [tilespmem:s25+$0xFFFFFFE0];
	[tilespmem:s23+$0xFFFFFF90] =	vst v4  }
0x187: {  	v4 =	vld [tilespmem:s25+$0xFFFFFFF0]  }
0x188: {  	v7 =	vld [tilespmem:s25+$0xFFFFFF90]  }
0x189: {  	v6 =	vld.idx.msk [tilespmem:v6+s3+$0x0], $0xffff  }
0x18a: {  	v8 =	vld.idx.msk [tilespmem:v5+s3+$0x0], $0xffff  }
0x18b: {  	v5 =	vld.idx.msk [tilespmem:v3+s3+$0x0], $0xffff  }
.Ltmp14:
0x18c: {  	v3 =	vld.idx.msk [tilespmem:v0+s3+$0x0], $0xffff;
	(pc) =	sbr.rel @p1 .LBB2_30-.Ltmp14, $4  }
0x18d: {  	v0 =	vld.idx.msk [tilespmem:v1+s3+$0x0], $0xffff  }
0x18e: {  	s23 =	sadd.s32 $0x100, s23;
	v1 =	vld.idx.msk [tilespmem:v2+s3+$0x0], $0xffff  }
0x18f: {  	v2 =	vld.idx.msk [tilespmem:v4+s3+$0x0], $0xffff;
	[tilespmem:s23+$0x0] =	vst v6  }
0x190: {  	s25 =	sadd.s32 $0x80, s25;
	v4 =	vld.idx.msk [tilespmem:v7+s3+$0x0], $0xffff;
	[tilespmem:s23+$0xFFFFFFA0] =	vst v8  }
0x191: {  	[tilespmem:s23+$0xFFFFFFB0] =	vst v5  }
0x192: {  	[tilespmem:s23+$0xFFFFFFC0] =	vst v3  }
0x193: {  	[tilespmem:s23+$0xFFFFFFD0] =	vst v0  }
0x194: {  	[tilespmem:s23+$0xFFFFFFE0] =	vst v1  }
0x195: {  	s24 =	simm.s32 $0x1C780;
	[tilespmem:s23+$0xFFFFFFF0] =	vst v2  }
0x196: {  	s26 =	sadd.s32 $0x0, s13;
	s25 =	simm.s32 $0x1C880;
	[tilespmem:s23+$0xFFFFFF90] =	vst v4;
	s23 =	simm.s32 $0x80  }
.LBB2_32:
0x197: {  	[hbm4b:s26+s3] =	stream.linear.scatter [tilespmem:s24], [sflag:$0x2], $0x80, $0x38;
	[tilespmem:$0x1EB00] =	vst v63  }
0x198: {  	s26 =	smov.u32 s23;
	s24 =	smov.u32 s25;
	p1 =	sne.s32 s23, $0xF80  }
.Ltmp15:
0x199: {  	s23 =	sadd.s32 $0x80, s23;
	(pc) =	sbr.rel @p1 .LBB2_32-.Ltmp15, $2  }
0x19a: {  	_ =	sdelay $0x2  }
0x19b: {  	s25 =	sadd.s32 $0x100, s25;
	s26 =	sadd.s32 s26, s13  }
0x19c: {  	[hbm4b:s26+s3] =	stream.linear.scatter [tilespmem:s24], [sflag:$0x2], $0x80, $0x38;
	[tilespmem:$0x1EB00] =	vst v63  }
0x19d: {  	s22 =	sadd.s32 $0x1, s22  }
0x19e: {  	_ =	swait.ge [sflag:s20], $0x1000;
	p1 =	sne.s32 s22, s14  }
.Ltmp16:
0x19f: {  	[sflag:s20] =	ssyncset.done $0x0;
	(pc) =	sbr.rel @p1 .LBB2_1-.Ltmp16, $4  }
0x1a0: {  	[sflag:s20] =	ssyncadd.s32 $0xFFFFF000  }
0x1a1: {  	_ =	swait.ge [sflag:s21], $0x1000  }
0x1a2: {  	[sflag:s21] =	ssyncset.done $0x0  }
0x1a3: {  	[sflag:s21] =	ssyncadd.s32 $0xFFFFF000  }
0x1a4: {  	_ =	sfence.sel $0x180000  }
0x1a5: {  	[bflag:$0x0] =	sbarrier.arrive $0xFFFF  }
0x1a6: {  	_ =	strace $0x90000047  }
0x1a7: {  	s0 =	sadd.s32 @!p0 $0x100000, s0;
	[bflag:$0x2] =	sbarrier.arrive $0xFFFF  }
0x1a8: {  	[sflag:s0] =	ssyncadd.tile.s32 @!p0 $0x1;
	_ =	shalt  }
.Lfunc_end2:
_tile_overlayer_lowered:
.L_overlay_start_2:
0x1a9: {  	(tag) =	ssettag $0x2  }
0x1aa: {  	s0 =	rddreg [dreg:$0x0];
	s2 =	stileid.u32  }
0x1ab: {  	s1 =	rddreg [dreg:$0x1];
	p0 =	sne.s32 s2, $0x0  }
0x1ac: {  	s3 =	rddreg [dreg:$0x2];
	[bflag:$0x3] =	sbarrier.arrive $0xFFFF;
	s2 =	simm.s32 @!p0 $0x1C04  }
0x1ad: {  	[timem:s3], [sflag:s2] =	dma.local @!p0 [hbm:s0], s1  }
0x1ae: {  	s0 =	simm.s32 @!p0 $0x4  }
0x1af: {  	_ =	swait.ge @!p0 [sflag:s0], s1  }
0x1b0: {  	s1 =	ssub.s32 @!p0 $0x0, s1;
	[sflag:s0] =	ssyncset.done @!p0 $0x0  }
0x1b1: {  	[sflag:s0] =	ssyncadd.s32 @!p0 s1  }
0x1b2: {  	[bflag:$0x3] =	sbarrier.arrive $0xFFFF  }
0x1b3: {  	_ =	shalt  }

</sc_bundles>
